<compile_context>
chip_gen: v7x
topology: tpu7x:2x2x1
jax: 0.10.2.dev20260603
libtpu: 0.0.44.dev20260713+nightly
codegen_flags: <defaults>
</compile_context>

<pallas_src>
import functools
import math

import jax
import jax.numpy as jnp
from jax import lax
from jax.experimental import pallas as pl
from jax.experimental.pallas import tpu as pltpu
from jax.experimental.pallas import tpu_sc as plsc

NUM_CORES = 2
NUM_SUBCORES = 16
NW = NUM_CORES * NUM_SUBCORES
LANES = 16
CHUNK = 128
NBUF = 2


def _build_gather(nchunks: int, d: int, n_pad: int):
    scale = math.sqrt(d)
    mesh = plsc.VectorSubcoreMesh(core_axis_name="c", subcore_axis_name="s")

    @functools.partial(
        pl.kernel,
        out_type=jax.ShapeDtypeStruct((n_pad, d), jnp.float32),
        mesh=mesh,
        scratch_types=(
            [pltpu.VMEM((nchunks, CHUNK), jnp.int32)]
            + [pltpu.VMEM((CHUNK, d), jnp.float32)] * (2 * NBUF)
            + [pltpu.SemaphoreType.DMA] * (2 * NBUF)
        ),
    )
    def gather_kernel(idx_hbm, table_hbm, out_hbm, idx_v, *bufs_sems):
        gbufs = bufs_sems[0:NBUF]
        wbufs = bufs_sems[NBUF:2 * NBUF]
        gsems = bufs_sems[2 * NBUF:3 * NBUF]
        wsems = bufs_sems[3 * NBUF:4 * NBUF]

        wid = lax.axis_index("s") * NUM_CORES + lax.axis_index("c")
        row_base = wid * (nchunks * CHUNK)

        def out_slice(c):
            return out_hbm.at[pl.ds(row_base + c * CHUNK, CHUNK)]

        pltpu.sync_copy(idx_hbm.at[wid], idx_v)

        for b in range(NBUF):
            pltpu.async_copy(table_hbm.at[idx_v.at[b]], gbufs[b], gsems[b])

        def do_chunk(cur, gbuf, gsem, wbuf, wsem):
            @pl.when(cur >= NBUF)
            def _():
                pltpu.make_async_copy(wbuf, out_slice(cur - NBUF),
                                      wsem).wait()
            pltpu.make_async_copy(table_hbm.at[idx_v.at[cur]], gbuf,
                                  gsem).wait()

            @plsc.parallel_loop(0, CHUNK, unroll=8)
            def _(i):
                for j in range(d // LANES):
                    sl = pl.ds(j * LANES, LANES)
                    wbuf[i, sl] = gbuf[i, sl] * scale

            pltpu.async_copy(wbuf, out_slice(cur), wsem)
            nxt = cur + NBUF
            @pl.when(nxt < nchunks)
            def _():
                pltpu.async_copy(table_hbm.at[idx_v.at[nxt]], gbuf, gsem)

        def body(k, carry):
            for b in range(NBUF):
                do_chunk(k * NBUF + b, gbufs[b], gsems[b], wbufs[b], wsems[b])
            return carry

        lax.fori_loop(0, nchunks // NBUF, body, None)

        for b in range(NBUF):
            pltpu.make_async_copy(wbufs[b], out_slice(nchunks - NBUF + b),
                                  wsems[b]).wait()

    return gather_kernel


def kernel(position_ids, table):
    b, s = position_ids.shape
    v, d = table.shape
    n = b * s

    per_worker = -(-n // NW)
    nchunks = -(-per_worker // CHUNK)
    while nchunks % NBUF:
        nchunks += 1
    n_pad = NW * nchunks * CHUNK

    idx = position_ids.reshape(n).astype(jnp.int32)
    if n_pad != n:
        idx = jnp.pad(idx, (0, n_pad - n))
    idx3 = idx.reshape(NW, nchunks, CHUNK)

    out = _build_gather(nchunks, d, n_pad)(idx3, table)
    if n_pad != n:
        out = out[:n]
    return out.reshape(b, s, d)

# --- scband reference (transcript-rebuilt; emitter-appended) ---
"""Pipeline reference for scband-learnable-positional-embedding-29317446762891 (READ-ONLY COPY).

The authoritative reference and input builder live on the scoring server;
editing this copy changes nothing except your own understanding.
"""

import jax, jax.numpy as jnp
import numpy as np
import math

D_MODEL = 128
MAX_SEQ_LEN = 100000
BATCH = 1024
SEQ_LEN = 200

def setup_inputs(seed: int = 0) -> dict:
    key = jax.random.key(seed)
    k_idx, k_tab = jax.random.split(key)
    position_ids = jax.random.randint(k_idx, (BATCH, SEQ_LEN), 0, MAX_SEQ_LEN, dtype=jnp.int64 if jax.config.read('jax_enable_x64') else jnp.int32)
    # position embedding table, init normal std=0.02 per config.init_type='normal'
    table = jax.random.normal(k_tab, (MAX_SEQ_LEN, D_MODEL), dtype=jnp.float32) * 0.02
    return {"position_ids": position_ids, "table": table}

def reference(position_ids, table):
    # Faithful to LearnablePositionalEmbedding.forward in eval mode with this config:
    # - use_learned_positions=True: gather position embeddings
    # - no time/hierarchical/context/adaptive branches
    # - use_embedding_scaling=True with scale_factor=None -> sqrt(d_model)
    # - position_dropout only active in training; eval => no-op
    pos_embeddings = jnp.take(table, position_ids, axis=0)  # [B, S, D]
    scale = math.sqrt(D_MODEL)
    combined = pos_embeddings * scale
    return combined

if __name__ == "__main__":
    import jax
    _d = setup_inputs()
    print(jax.jit(kernel)(*tuple(_d.values())))

</pallas_src>

<mosaic_0001>
#map = affine_map<(d0, d1) -> (0, 0, 0)>
#map1 = affine_map<(d0, d1) -> (0, 0)>
module attributes {stable_mosaic.version = 14 : i64} {
  func.func @gather_kernel(%arg0: i32, %arg1: i32, %arg2: memref<32x50x128xi32, #tpu.memory_space<hbm>>, %arg3: memref<100000x128xf32, #tpu.memory_space<hbm>>, %arg4: memref<204800x128xf32, #tpu.memory_space<hbm>>, %arg5: memref<50x128xi32, #tpu.memory_space<vmem>>, %arg6: memref<128x128xf32, #tpu.memory_space<vmem>>, %arg7: memref<128x128xf32, #tpu.memory_space<vmem>>, %arg8: memref<128x128xf32, #tpu.memory_space<vmem>>, %arg9: memref<128x128xf32, #tpu.memory_space<vmem>>, %arg10: memref<!tpu.dma_semaphore, #tpu.memory_space<semaphore_mem>>, %arg11: memref<!tpu.dma_semaphore, #tpu.memory_space<semaphore_mem>>, %arg12: memref<!tpu.dma_semaphore, #tpu.memory_space<semaphore_mem>>, %arg13: memref<!tpu.dma_semaphore, #tpu.memory_space<semaphore_mem>>) attributes {dimension_semantics = [#tpu.dimension_semantics<core_parallel>, #tpu.dimension_semantics<subcore_parallel>], iteration_bounds = array<i64: 2, 16>, scalar_prefetch = 0 : i64, scratch_operands = 9 : i64, tpu.core_type = #tpu.core_type<sc_vector_subcore>, window_params = [{transform_indices = #map}, {transform_indices = #map1}, {transform_indices = #map1}]} {
    %mul3A = arith.constant 2 : i32
    %mul3A_0 = arith.muli %arg1, %mul3A : i32
    %add3A = arith.addi %mul3A_0, %arg0 : i32
    %mul3A_1 = arith.constant 6400 : i32
    %mul3A_2 = arith.muli %add3A, %mul3A_1 : i32
    "tpu.region"() ({
      %run_scoped3A = tpu.sem_alloc : memref<!tpu.dma_semaphore, #tpu.memory_space<semaphore_mem>>
      %dma_start3A_31 = arith.constant 0 : i32
      %dma_start3A_32 = arith.constant 0 : i32
      %dma_start3A_33 = tpu.memref_slice %arg2[%add3A, %dma_start3A_31, %dma_start3A_32] : memref<32x50x128xi32, #tpu.memory_space<hbm>> -> memref<1x50x128xi32, #tpu.memory_space<hbm>>
      %dma_start3A_34 = tpu.memref_squeeze %dma_start3A_33 : memref<1x50x128xi32, #tpu.memory_space<hbm>> -> memref<50x128xi32, #tpu.memory_space<hbm>>
      %dma_start3A_35 = arith.constant 0 : i32
      %dma_start3A_36 = arith.constant 0 : i32
      %dma_start3A_37 = tpu.memref_slice %arg2[%add3A, %dma_start3A_35, %dma_start3A_36] : memref<32x50x128xi32, #tpu.memory_space<hbm>> -> memref<1x50x128xi32, #tpu.memory_space<hbm>>
      %dma_start3A_38 = tpu.memref_squeeze %dma_start3A_37 : memref<1x50x128xi32, #tpu.memory_space<hbm>> -> memref<50x128xi32, #tpu.memory_space<hbm>>
      tpu.enqueue_dma source(%dma_start3A_38 : memref<50x128xi32, #tpu.memory_space<hbm>>) target(%arg5 : memref<50x128xi32, #tpu.memory_space<vmem>>) target_semaphore(%run_scoped3A : memref<!tpu.dma_semaphore, #tpu.memory_space<semaphore_mem>>)
      %dma_wait3A_39 = arith.constant 0 : i32
      %dma_wait3A_40 = arith.constant 0 : i32
      %dma_wait3A_41 = tpu.memref_slice %arg2[%add3A, %dma_wait3A_39, %dma_wait3A_40] : memref<32x50x128xi32, #tpu.memory_space<hbm>> -> memref<1x50x128xi32, #tpu.memory_space<hbm>>
      %dma_wait3A_42 = tpu.memref_squeeze %dma_wait3A_41 : memref<1x50x128xi32, #tpu.memory_space<hbm>> -> memref<50x128xi32, #tpu.memory_space<hbm>>
      %dma_wait3A_43 = arith.constant 0 : i32
      %dma_wait3A_44 = arith.constant 0 : i32
      %dma_wait3A_45 = tpu.memref_slice %arg2[%add3A, %dma_wait3A_43, %dma_wait3A_44] : memref<32x50x128xi32, #tpu.memory_space<hbm>> -> memref<1x50x128xi32, #tpu.memory_space<hbm>>
      %dma_wait3A_46 = tpu.memref_squeeze %dma_wait3A_45 : memref<1x50x128xi32, #tpu.memory_space<hbm>> -> memref<50x128xi32, #tpu.memory_space<hbm>>
      tpu.wait_dma2 semaphore(%run_scoped3A : memref<!tpu.dma_semaphore, #tpu.memory_space<semaphore_mem>>) src(%dma_wait3A_46 : memref<50x128xi32, #tpu.memory_space<hbm>>) dst(%arg5 : memref<50x128xi32, #tpu.memory_space<vmem>>)
      tpu.yield
    }) : () -> ()
    %dma_start3A = arith.constant 0 : i32
    %dma_start3A_3 = arith.constant 0 : i32
    %dma_start3A_4 = tpu.memref_slice %arg5[%dma_start3A, %dma_start3A_3] : memref<50x128xi32, #tpu.memory_space<vmem>> -> memref<1x128xi32, #tpu.memory_space<vmem>>
    %dma_start3A_5 = tpu.memref_squeeze %dma_start3A_4 : memref<1x128xi32, #tpu.memory_space<vmem>> -> memref<128xi32, #tpu.memory_space<vmem>>
    %dma_start3A_6 = arith.constant 0 : i32
    %dma_start3A_7 = arith.constant 0 : i32
    %dma_start3A_8 = tpu.memref_slice %arg3[%dma_start3A_6, %dma_start3A_7] : memref<100000x128xf32, #tpu.memory_space<hbm>> -> memref<100000x128xf32, #tpu.memory_space<hbm>>
    tpu.enqueue_indirect_dma source(%dma_start3A_8 : memref<100000x128xf32, #tpu.memory_space<hbm>>) target(%arg6 : memref<128x128xf32, #tpu.memory_space<vmem>>) offsets(%dma_start3A_5 : memref<128xi32, #tpu.memory_space<vmem>>) semaphore(%arg10 : memref<!tpu.dma_semaphore, #tpu.memory_space<semaphore_mem>>)
    %dma_start3A_9 = arith.constant 1 : i32
    %dma_start3A_10 = arith.constant 0 : i32
    %dma_start3A_11 = tpu.memref_slice %arg5[%dma_start3A_9, %dma_start3A_10] : memref<50x128xi32, #tpu.memory_space<vmem>> -> memref<1x128xi32, #tpu.memory_space<vmem>>
    %dma_start3A_12 = tpu.memref_squeeze %dma_start3A_11 : memref<1x128xi32, #tpu.memory_space<vmem>> -> memref<128xi32, #tpu.memory_space<vmem>>
    %dma_start3A_13 = arith.constant 0 : i32
    %dma_start3A_14 = arith.constant 0 : i32
    %dma_start3A_15 = tpu.memref_slice %arg3[%dma_start3A_13, %dma_start3A_14] : memref<100000x128xf32, #tpu.memory_space<hbm>> -> memref<100000x128xf32, #tpu.memory_space<hbm>>
    tpu.enqueue_indirect_dma source(%dma_start3A_15 : memref<100000x128xf32, #tpu.memory_space<hbm>>) target(%arg7 : memref<128x128xf32, #tpu.memory_space<vmem>>) offsets(%dma_start3A_12 : memref<128xi32, #tpu.memory_space<vmem>>) semaphore(%arg11 : memref<!tpu.dma_semaphore, #tpu.memory_space<semaphore_mem>>)
    %scan3A = arith.constant 0 : i32
    %scan3A_16 = arith.constant 25 : i32
    %scan3A_17 = arith.addi %scan3A, %scan3A_16 : i32
    %scan3A_18 = arith.constant 1 : i32
    scf.for %scan3A_31 = %scan3A to %scan3A_17 step %scan3A_18  : i32 {
      %mul3A_32 = arith.constant 2 : i32
      %mul3A_33 = arith.muli %scan3A_31, %mul3A_32 : i32
      %add3A_34 = arith.constant 0 : i32
      %add3A_35 = arith.addi %mul3A_33, %add3A_34 : i32
      %ge3A = arith.constant 2 : i32
      %ge3A_36 = arith.cmpi sge, %add3A_35, %ge3A : i32
      %convert_element_type3A = arith.extui %ge3A_36 : i1 to i32
      %cond3A = arith.constant 0 : i32
      %cond3A_37 = arith.cmpi ne, %convert_element_type3A, %cond3A : i32
      scf.if %cond3A_37 {
        %sub3A = arith.constant 2 : i32
        %sub3A_91 = arith.subi %add3A_35, %sub3A : i32
        %mul3A_92 = arith.constant 128 : i32
        %mul3A_93 = arith.muli %sub3A_91, %mul3A_92 : i32
        %add3A_94 = arith.addi %mul3A_2, %mul3A_93 : i32
        %dma_wait3A_95 = arith.constant 0 : i32
        %dma_wait3A_96 = tpu.memref_slice %arg4[%add3A_94, %dma_wait3A_95] : memref<204800x128xf32, #tpu.memory_space<hbm>> -> memref<128x128xf32, #tpu.memory_space<hbm>>
        %dma_wait3A_97 = arith.constant 0 : i32
        %dma_wait3A_98 = tpu.memref_slice %arg4[%add3A_94, %dma_wait3A_97] : memref<204800x128xf32, #tpu.memory_space<hbm>> -> memref<128x128xf32, #tpu.memory_space<hbm>>
        tpu.wait_dma2 semaphore(%arg12 : memref<!tpu.dma_semaphore, #tpu.memory_space<semaphore_mem>>) src(%arg8 : memref<128x128xf32, #tpu.memory_space<vmem>>) dst(%dma_wait3A_98 : memref<128x128xf32, #tpu.memory_space<hbm>>)
      } else {
      }
      %dma_wait3A_38 = arith.constant 0 : i32
      %dma_wait3A_39 = tpu.memref_slice %arg5[%add3A_35, %dma_wait3A_38] : memref<50x128xi32, #tpu.memory_space<vmem>> -> memref<1x128xi32, #tpu.memory_space<vmem>>
      %dma_wait3A_40 = tpu.memref_squeeze %dma_wait3A_39 : memref<1x128xi32, #tpu.memory_space<vmem>> -> memref<128xi32, #tpu.memory_space<vmem>>
      %dma_wait3A_41 = arith.constant 0 : i32
      %dma_wait3A_42 = arith.constant 0 : i32
      %dma_wait3A_43 = tpu.memref_slice %arg3[%dma_wait3A_41, %dma_wait3A_42] : memref<100000x128xf32, #tpu.memory_space<hbm>> -> memref<100000x128xf32, #tpu.memory_space<hbm>>
      tpu.wait_indirect_dma semaphore(%arg10 : memref<!tpu.dma_semaphore, #tpu.memory_space<semaphore_mem>>) src(%dma_wait3A_43 : memref<100000x128xf32, #tpu.memory_space<hbm>>) dst(%arg6 : memref<128x128xf32, #tpu.memory_space<vmem>>)
      %parallel_loop3A = arith.constant 0 : i32
      %parallel_loop3A_44 = arith.constant 128 : i32
      %parallel_loop3A_45 = arith.constant 1 : i32
      scf.for %parallel_loop3A_91 = %parallel_loop3A to %parallel_loop3A_44 step %parallel_loop3A_45  : i32 {
        %parallel_loop3A_92 = arith.index_cast %parallel_loop3A_91 : i32 to index
        %parallel_loop3A_93 = arith.constant 0 : index
        %parallel_loop3A_94 = tpu.vector_load %arg6[%parallel_loop3A_92, %parallel_loop3A_93] {strides = array<i32>} : memref<128x128xf32, #tpu.memory_space<vmem>>, vector<1x16xf32>,
        %parallel_loop3A_95 = vector.shape_cast %parallel_loop3A_94 : vector<1x16xf32> to vector<16xf32>
        %parallel_loop3A_96 = arith.constant 11.3137083 : f32
        %parallel_loop3A_97 = vector.broadcast %parallel_loop3A_96 : f32 to vector<16xf32>
        %parallel_loop3A_98 = arith.mulf %parallel_loop3A_95, %parallel_loop3A_97 : vector<16xf32>
        %parallel_loop3A_99 = arith.index_cast %parallel_loop3A_91 : i32 to index
        %parallel_loop3A_100 = arith.constant 0 : index
        %parallel_loop3A_101 = tpu.vector_load %arg8[%parallel_loop3A_99, %parallel_loop3A_100] {strides = array<i32>} : memref<128x128xf32, #tpu.memory_space<vmem>>, vector<1x16xf32>,
        %parallel_loop3A_102 = vector.shape_cast %parallel_loop3A_101 : vector<1x16xf32> to vector<16xf32>
        %parallel_loop3A_103 = vector.shape_cast %parallel_loop3A_98 : vector<16xf32> to vector<1x16xf32>
        tpu.vector_store %arg8[%parallel_loop3A_99, %parallel_loop3A_100], %parallel_loop3A_103 {strides = array<i32>} : memref<128x128xf32, #tpu.memory_space<vmem>>, vector<1x16xf32>,
        %parallel_loop3A_104 = arith.index_cast %parallel_loop3A_91 : i32 to index
        %parallel_loop3A_105 = arith.constant 16 : index
        %parallel_loop3A_106 = tpu.vector_load %arg6[%parallel_loop3A_104, %parallel_loop3A_105] {strides = array<i32>} : memref<128x128xf32, #tpu.memory_space<vmem>>, vector<1x16xf32>,
        %parallel_loop3A_107 = vector.shape_cast %parallel_loop3A_106 : vector<1x16xf32> to vector<16xf32>
        %parallel_loop3A_108 = arith.constant 11.3137083 : f32
        %parallel_loop3A_109 = vector.broadcast %parallel_loop3A_108 : f32 to vector<16xf32>
        %parallel_loop3A_110 = arith.mulf %parallel_loop3A_107, %parallel_loop3A_109 : vector<16xf32>
        %parallel_loop3A_111 = arith.index_cast %parallel_loop3A_91 : i32 to index
        %parallel_loop3A_112 = arith.constant 16 : index
        %parallel_loop3A_113 = tpu.vector_load %arg8[%parallel_loop3A_111, %parallel_loop3A_112] {strides = array<i32>} : memref<128x128xf32, #tpu.memory_space<vmem>>, vector<1x16xf32>,
        %parallel_loop3A_114 = vector.shape_cast %parallel_loop3A_113 : vector<1x16xf32> to vector<16xf32>
        %parallel_loop3A_115 = vector.shape_cast %parallel_loop3A_110 : vector<16xf32> to vector<1x16xf32>
        tpu.vector_store %arg8[%parallel_loop3A_111, %parallel_loop3A_112], %parallel_loop3A_115 {strides = array<i32>} : memref<128x128xf32, #tpu.memory_space<vmem>>, vector<1x16xf32>,
        %parallel_loop3A_116 = arith.index_cast %parallel_loop3A_91 : i32 to index
        %parallel_loop3A_117 = arith.constant 32 : index
        %parallel_loop3A_118 = tpu.vector_load %arg6[%parallel_loop3A_116, %parallel_loop3A_117] {strides = array<i32>} : memref<128x128xf32, #tpu.memory_space<vmem>>, vector<1x16xf32>,
        %parallel_loop3A_119 = vector.shape_cast %parallel_loop3A_118 : vector<1x16xf32> to vector<16xf32>
        %parallel_loop3A_120 = arith.constant 11.3137083 : f32
        %parallel_loop3A_121 = vector.broadcast %parallel_loop3A_120 : f32 to vector<16xf32>
        %parallel_loop3A_122 = arith.mulf %parallel_loop3A_119, %parallel_loop3A_121 : vector<16xf32>
        %parallel_loop3A_123 = arith.index_cast %parallel_loop3A_91 : i32 to index
        %parallel_loop3A_124 = arith.constant 32 : index
        %parallel_loop3A_125 = tpu.vector_load %arg8[%parallel_loop3A_123, %parallel_loop3A_124] {strides = array<i32>} : memref<128x128xf32, #tpu.memory_space<vmem>>, vector<1x16xf32>,
        %parallel_loop3A_126 = vector.shape_cast %parallel_loop3A_125 : vector<1x16xf32> to vector<16xf32>
        %parallel_loop3A_127 = vector.shape_cast %parallel_loop3A_122 : vector<16xf32> to vector<1x16xf32>
        tpu.vector_store %arg8[%parallel_loop3A_123, %parallel_loop3A_124], %parallel_loop3A_127 {strides = array<i32>} : memref<128x128xf32, #tpu.memory_space<vmem>>, vector<1x16xf32>,
        %parallel_loop3A_128 = arith.index_cast %parallel_loop3A_91 : i32 to index
        %parallel_loop3A_129 = arith.constant 48 : index
        %parallel_loop3A_130 = tpu.vector_load %arg6[%parallel_loop3A_128, %parallel_loop3A_129] {strides = array<i32>} : memref<128x128xf32, #tpu.memory_space<vmem>>, vector<1x16xf32>,
        %parallel_loop3A_131 = vector.shape_cast %parallel_loop3A_130 : vector<1x16xf32> to vector<16xf32>
        %parallel_loop3A_132 = arith.constant 11.3137083 : f32
        %parallel_loop3A_133 = vector.broadcast %parallel_loop3A_132 : f32 to vector<16xf32>
        %parallel_loop3A_134 = arith.mulf %parallel_loop3A_131, %parallel_loop3A_133 : vector<16xf32>
        %parallel_loop3A_135 = arith.index_cast %parallel_loop3A_91 : i32 to index
        %parallel_loop3A_136 = arith.constant 48 : index
        %parallel_loop3A_137 = tpu.vector_load %arg8[%parallel_loop3A_135, %parallel_loop3A_136] {strides = array<i32>} : memref<128x128xf32, #tpu.memory_space<vmem>>, vector<1x16xf32>,
        %parallel_loop3A_138 = vector.shape_cast %parallel_loop3A_137 : vector<1x16xf32> to vector<16xf32>
        %parallel_loop3A_139 = vector.shape_cast %parallel_loop3A_134 : vector<16xf32> to vector<1x16xf32>
        tpu.vector_store %arg8[%parallel_loop3A_135, %parallel_loop3A_136], %parallel_loop3A_139 {strides = array<i32>} : memref<128x128xf32, #tpu.memory_space<vmem>>, vector<1x16xf32>,
        %parallel_loop3A_140 = arith.index_cast %parallel_loop3A_91 : i32 to index
        %parallel_loop3A_141 = arith.constant 64 : index
        %parallel_loop3A_142 = tpu.vector_load %arg6[%parallel_loop3A_140, %parallel_loop3A_141] {strides = array<i32>} : memref<128x128xf32, #tpu.memory_space<vmem>>, vector<1x16xf32>,
        %parallel_loop3A_143 = vector.shape_cast %parallel_loop3A_142 : vector<1x16xf32> to vector<16xf32>
        %parallel_loop3A_144 = arith.constant 11.3137083 : f32
        %parallel_loop3A_145 = vector.broadcast %parallel_loop3A_144 : f32 to vector<16xf32>
        %parallel_loop3A_146 = arith.mulf %parallel_loop3A_143, %parallel_loop3A_145 : vector<16xf32>
        %parallel_loop3A_147 = arith.index_cast %parallel_loop3A_91 : i32 to index
        %parallel_loop3A_148 = arith.constant 64 : index
        %parallel_loop3A_149 = tpu.vector_load %arg8[%parallel_loop3A_147, %parallel_loop3A_148] {strides = array<i32>} : memref<128x128xf32, #tpu.memory_space<vmem>>, vector<1x16xf32>,
        %parallel_loop3A_150 = vector.shape_cast %parallel_loop3A_149 : vector<1x16xf32> to vector<16xf32>
        %parallel_loop3A_151 = vector.shape_cast %parallel_loop3A_146 : vector<16xf32> to vector<1x16xf32>
        tpu.vector_store %arg8[%parallel_loop3A_147, %parallel_loop3A_148], %parallel_loop3A_151 {strides = array<i32>} : memref<128x128xf32, #tpu.memory_space<vmem>>, vector<1x16xf32>,
        %parallel_loop3A_152 = arith.index_cast %parallel_loop3A_91 : i32 to index
        %parallel_loop3A_153 = arith.constant 80 : index
        %parallel_loop3A_154 = tpu.vector_load %arg6[%parallel_loop3A_152, %parallel_loop3A_153] {strides = array<i32>} : memref<128x128xf32, #tpu.memory_space<vmem>>, vector<1x16xf32>,
        %parallel_loop3A_155 = vector.shape_cast %parallel_loop3A_154 : vector<1x16xf32> to vector<16xf32>
        %parallel_loop3A_156 = arith.constant 11.3137083 : f32
        %parallel_loop3A_157 = vector.broadcast %parallel_loop3A_156 : f32 to vector<16xf32>
        %parallel_loop3A_158 = arith.mulf %parallel_loop3A_155, %parallel_loop3A_157 : vector<16xf32>
        %parallel_loop3A_159 = arith.index_cast %parallel_loop3A_91 : i32 to index
        %parallel_loop3A_160 = arith.constant 80 : index
        %parallel_loop3A_161 = tpu.vector_load %arg8[%parallel_loop3A_159, %parallel_loop3A_160] {strides = array<i32>} : memref<128x128xf32, #tpu.memory_space<vmem>>, vector<1x16xf32>,
        %parallel_loop3A_162 = vector.shape_cast %parallel_loop3A_161 : vector<1x16xf32> to vector<16xf32>
        %parallel_loop3A_163 = vector.shape_cast %parallel_loop3A_158 : vector<16xf32> to vector<1x16xf32>
        tpu.vector_store %arg8[%parallel_loop3A_159, %parallel_loop3A_160], %parallel_loop3A_163 {strides = array<i32>} : memref<128x128xf32, #tpu.memory_space<vmem>>, vector<1x16xf32>,
        %parallel_loop3A_164 = arith.index_cast %parallel_loop3A_91 : i32 to index
        %parallel_loop3A_165 = arith.constant 96 : index
        %parallel_loop3A_166 = tpu.vector_load %arg6[%parallel_loop3A_164, %parallel_loop3A_165] {strides = array<i32>} : memref<128x128xf32, #tpu.memory_space<vmem>>, vector<1x16xf32>,
        %parallel_loop3A_167 = vector.shape_cast %parallel_loop3A_166 : vector<1x16xf32> to vector<16xf32>
        %parallel_loop3A_168 = arith.constant 11.3137083 : f32
        %parallel_loop3A_169 = vector.broadcast %parallel_loop3A_168 : f32 to vector<16xf32>
        %parallel_loop3A_170 = arith.mulf %parallel_loop3A_167, %parallel_loop3A_169 : vector<16xf32>
        %parallel_loop3A_171 = arith.index_cast %parallel_loop3A_91 : i32 to index
        %parallel_loop3A_172 = arith.constant 96 : index
        %parallel_loop3A_173 = tpu.vector_load %arg8[%parallel_loop3A_171, %parallel_loop3A_172] {strides = array<i32>} : memref<128x128xf32, #tpu.memory_space<vmem>>, vector<1x16xf32>,
        %parallel_loop3A_174 = vector.shape_cast %parallel_loop3A_173 : vector<1x16xf32> to vector<16xf32>
        %parallel_loop3A_175 = vector.shape_cast %parallel_loop3A_170 : vector<16xf32> to vector<1x16xf32>
        tpu.vector_store %arg8[%parallel_loop3A_171, %parallel_loop3A_172], %parallel_loop3A_175 {strides = array<i32>} : memref<128x128xf32, #tpu.memory_space<vmem>>, vector<1x16xf32>,
        %parallel_loop3A_176 = arith.index_cast %parallel_loop3A_91 : i32 to index
        %parallel_loop3A_177 = arith.constant 112 : index
        %parallel_loop3A_178 = tpu.vector_load %arg6[%parallel_loop3A_176, %parallel_loop3A_177] {strides = array<i32>} : memref<128x128xf32, #tpu.memory_space<vmem>>, vector<1x16xf32>,
        %parallel_loop3A_179 = vector.shape_cast %parallel_loop3A_178 : vector<1x16xf32> to vector<16xf32>
        %parallel_loop3A_180 = arith.constant 11.3137083 : f32
        %parallel_loop3A_181 = vector.broadcast %parallel_loop3A_180 : f32 to vector<16xf32>
        %parallel_loop3A_182 = arith.mulf %parallel_loop3A_179, %parallel_loop3A_181 : vector<16xf32>
        %parallel_loop3A_183 = arith.index_cast %parallel_loop3A_91 : i32 to index
        %parallel_loop3A_184 = arith.constant 112 : index
        %parallel_loop3A_185 = tpu.vector_load %arg8[%parallel_loop3A_183, %parallel_loop3A_184] {strides = array<i32>} : memref<128x128xf32, #tpu.memory_space<vmem>>, vector<1x16xf32>,
        %parallel_loop3A_186 = vector.shape_cast %parallel_loop3A_185 : vector<1x16xf32> to vector<16xf32>
        %parallel_loop3A_187 = vector.shape_cast %parallel_loop3A_182 : vector<16xf32> to vector<1x16xf32>
        tpu.vector_store %arg8[%parallel_loop3A_183, %parallel_loop3A_184], %parallel_loop3A_187 {strides = array<i32>} : memref<128x128xf32, #tpu.memory_space<vmem>>, vector<1x16xf32>,
      } {sc.loop_unroll_factor = 8 : i64, sc.parallel_access}
      %mul3A_46 = arith.constant 128 : i32
      %mul3A_47 = arith.muli %add3A_35, %mul3A_46 : i32
      %add3A_48 = arith.addi %mul3A_2, %mul3A_47 : i32
      %dma_start3A_49 = arith.constant 0 : i32
      %dma_start3A_50 = tpu.memref_slice %arg4[%add3A_48, %dma_start3A_49] : memref<204800x128xf32, #tpu.memory_space<hbm>> -> memref<128x128xf32, #tpu.memory_space<hbm>>
      %dma_start3A_51 = arith.constant 0 : i32
      %dma_start3A_52 = tpu.memref_slice %arg4[%add3A_48, %dma_start3A_51] : memref<204800x128xf32, #tpu.memory_space<hbm>> -> memref<128x128xf32, #tpu.memory_space<hbm>>
      tpu.enqueue_dma source(%arg8 : memref<128x128xf32, #tpu.memory_space<vmem>>) target(%dma_start3A_52 : memref<128x128xf32, #tpu.memory_space<hbm>>) target_semaphore(%arg12 : memref<!tpu.dma_semaphore, #tpu.memory_space<semaphore_mem>>)
      %add3A_53 = arith.constant 2 : i32
      %add3A_54 = arith.addi %add3A_35, %add3A_53 : i32
      %lt3A = arith.constant 50 : i32
      %lt3A_55 = arith.cmpi slt, %add3A_54, %lt3A : i32
      %convert_element_type3A_56 = arith.extui %lt3A_55 : i1 to i32
      %cond3A_57 = arith.constant 0 : i32
      %cond3A_58 = arith.cmpi ne, %convert_element_type3A_56, %cond3A_57 : i32
      scf.if %cond3A_58 {
        %dma_start3A_91 = arith.constant 0 : i32
        %dma_start3A_92 = tpu.memref_slice %arg5[%add3A_54, %dma_start3A_91] : memref<50x128xi32, #tpu.memory_space<vmem>> -> memref<1x128xi32, #tpu.memory_space<vmem>>
        %dma_start3A_93 = tpu.memref_squeeze %dma_start3A_92 : memref<1x128xi32, #tpu.memory_space<vmem>> -> memref<128xi32, #tpu.memory_space<vmem>>
        %dma_start3A_94 = arith.constant 0 : i32
        %dma_start3A_95 = arith.constant 0 : i32
        %dma_start3A_96 = tpu.memref_slice %arg3[%dma_start3A_94, %dma_start3A_95] : memref<100000x128xf32, #tpu.memory_space<hbm>> -> memref<100000x128xf32, #tpu.memory_space<hbm>>
        tpu.enqueue_indirect_dma source(%dma_start3A_96 : memref<100000x128xf32, #tpu.memory_space<hbm>>) target(%arg6 : memref<128x128xf32, #tpu.memory_space<vmem>>) offsets(%dma_start3A_93 : memref<128xi32, #tpu.memory_space<vmem>>) semaphore(%arg10 : memref<!tpu.dma_semaphore, #tpu.memory_space<semaphore_mem>>)
      } else {
      }
      %mul3A_59 = arith.constant 2 : i32
      %mul3A_60 = arith.muli %scan3A_31, %mul3A_59 : i32
      %add3A_61 = arith.constant 1 : i32
      %add3A_62 = arith.addi %mul3A_60, %add3A_61 : i32
      %ge3A_63 = arith.constant 2 : i32
      %ge3A_64 = arith.cmpi sge, %add3A_62, %ge3A_63 : i32
      %convert_element_type3A_65 = arith.extui %ge3A_64 : i1 to i32
      %cond3A_66 = arith.constant 0 : i32
      %cond3A_67 = arith.cmpi ne, %convert_element_type3A_65, %cond3A_66 : i32
      scf.if %cond3A_67 {
        %sub3A = arith.constant 2 : i32
        %sub3A_91 = arith.subi %add3A_62, %sub3A : i32
        %mul3A_92 = arith.constant 128 : i32
        %mul3A_93 = arith.muli %sub3A_91, %mul3A_92 : i32
        %add3A_94 = arith.addi %mul3A_2, %mul3A_93 : i32
        %dma_wait3A_95 = arith.constant 0 : i32
        %dma_wait3A_96 = tpu.memref_slice %arg4[%add3A_94, %dma_wait3A_95] : memref<204800x128xf32, #tpu.memory_space<hbm>> -> memref<128x128xf32, #tpu.memory_space<hbm>>
        %dma_wait3A_97 = arith.constant 0 : i32
        %dma_wait3A_98 = tpu.memref_slice %arg4[%add3A_94, %dma_wait3A_97] : memref<204800x128xf32, #tpu.memory_space<hbm>> -> memref<128x128xf32, #tpu.memory_space<hbm>>
        tpu.wait_dma2 semaphore(%arg13 : memref<!tpu.dma_semaphore, #tpu.memory_space<semaphore_mem>>) src(%arg9 : memref<128x128xf32, #tpu.memory_space<vmem>>) dst(%dma_wait3A_98 : memref<128x128xf32, #tpu.memory_space<hbm>>)
      } else {
      }
      %dma_wait3A_68 = arith.constant 0 : i32
      %dma_wait3A_69 = tpu.memref_slice %arg5[%add3A_62, %dma_wait3A_68] : memref<50x128xi32, #tpu.memory_space<vmem>> -> memref<1x128xi32, #tpu.memory_space<vmem>>
      %dma_wait3A_70 = tpu.memref_squeeze %dma_wait3A_69 : memref<1x128xi32, #tpu.memory_space<vmem>> -> memref<128xi32, #tpu.memory_space<vmem>>
      %dma_wait3A_71 = arith.constant 0 : i32
      %dma_wait3A_72 = arith.constant 0 : i32
      %dma_wait3A_73 = tpu.memref_slice %arg3[%dma_wait3A_71, %dma_wait3A_72] : memref<100000x128xf32, #tpu.memory_space<hbm>> -> memref<100000x128xf32, #tpu.memory_space<hbm>>
      tpu.wait_indirect_dma semaphore(%arg11 : memref<!tpu.dma_semaphore, #tpu.memory_space<semaphore_mem>>) src(%dma_wait3A_73 : memref<100000x128xf32, #tpu.memory_space<hbm>>) dst(%arg7 : memref<128x128xf32, #tpu.memory_space<vmem>>)
      %parallel_loop3A_74 = arith.constant 0 : i32
      %parallel_loop3A_75 = arith.constant 128 : i32
      %parallel_loop3A_76 = arith.constant 1 : i32
      scf.for %parallel_loop3A_91 = %parallel_loop3A_74 to %parallel_loop3A_75 step %parallel_loop3A_76  : i32 {
        %parallel_loop3A_92 = arith.index_cast %parallel_loop3A_91 : i32 to index
        %parallel_loop3A_93 = arith.constant 0 : index
        %parallel_loop3A_94 = tpu.vector_load %arg7[%parallel_loop3A_92, %parallel_loop3A_93] {strides = array<i32>} : memref<128x128xf32, #tpu.memory_space<vmem>>, vector<1x16xf32>,
        %parallel_loop3A_95 = vector.shape_cast %parallel_loop3A_94 : vector<1x16xf32> to vector<16xf32>
        %parallel_loop3A_96 = arith.constant 11.3137083 : f32
        %parallel_loop3A_97 = vector.broadcast %parallel_loop3A_96 : f32 to vector<16xf32>
        %parallel_loop3A_98 = arith.mulf %parallel_loop3A_95, %parallel_loop3A_97 : vector<16xf32>
        %parallel_loop3A_99 = arith.index_cast %parallel_loop3A_91 : i32 to index
        %parallel_loop3A_100 = arith.constant 0 : index
        %parallel_loop3A_101 = tpu.vector_load %arg9[%parallel_loop3A_99, %parallel_loop3A_100] {strides = array<i32>} : memref<128x128xf32, #tpu.memory_space<vmem>>, vector<1x16xf32>,
        %parallel_loop3A_102 = vector.shape_cast %parallel_loop3A_101 : vector<1x16xf32> to vector<16xf32>
        %parallel_loop3A_103 = vector.shape_cast %parallel_loop3A_98 : vector<16xf32> to vector<1x16xf32>
        tpu.vector_store %arg9[%parallel_loop3A_99, %parallel_loop3A_100], %parallel_loop3A_103 {strides = array<i32>} : memref<128x128xf32, #tpu.memory_space<vmem>>, vector<1x16xf32>,
        %parallel_loop3A_104 = arith.index_cast %parallel_loop3A_91 : i32 to index
        %parallel_loop3A_105 = arith.constant 16 : index
        %parallel_loop3A_106 = tpu.vector_load %arg7[%parallel_loop3A_104, %parallel_loop3A_105] {strides = array<i32>} : memref<128x128xf32, #tpu.memory_space<vmem>>, vector<1x16xf32>,
        %parallel_loop3A_107 = vector.shape_cast %parallel_loop3A_106 : vector<1x16xf32> to vector<16xf32>
        %parallel_loop3A_108 = arith.constant 11.3137083 : f32
        %parallel_loop3A_109 = vector.broadcast %parallel_loop3A_108 : f32 to vector<16xf32>
        %parallel_loop3A_110 = arith.mulf %parallel_loop3A_107, %parallel_loop3A_109 : vector<16xf32>
        %parallel_loop3A_111 = arith.index_cast %parallel_loop3A_91 : i32 to index
        %parallel_loop3A_112 = arith.constant 16 : index
        %parallel_loop3A_113 = tpu.vector_load %arg9[%parallel_loop3A_111, %parallel_loop3A_112] {strides = array<i32>} : memref<128x128xf32, #tpu.memory_space<vmem>>, vector<1x16xf32>,
        %parallel_loop3A_114 = vector.shape_cast %parallel_loop3A_113 : vector<1x16xf32> to vector<16xf32>
        %parallel_loop3A_115 = vector.shape_cast %parallel_loop3A_110 : vector<16xf32> to vector<1x16xf32>
        tpu.vector_store %arg9[%parallel_loop3A_111, %parallel_loop3A_112], %parallel_loop3A_115 {strides = array<i32>} : memref<128x128xf32, #tpu.memory_space<vmem>>, vector<1x16xf32>,
        %parallel_loop3A_116 = arith.index_cast %parallel_loop3A_91 : i32 to index
        %parallel_loop3A_117 = arith.constant 32 : index
        %parallel_loop3A_118 = tpu.vector_load %arg7[%parallel_loop3A_116, %parallel_loop3A_117] {strides = array<i32>} : memref<128x128xf32, #tpu.memory_space<vmem>>, vector<1x16xf32>,
        %parallel_loop3A_119 = vector.shape_cast %parallel_loop3A_118 : vector<1x16xf32> to vector<16xf32>
        %parallel_loop3A_120 = arith.constant 11.3137083 : f32
        %parallel_loop3A_121 = vector.broadcast %parallel_loop3A_120 : f32 to vector<16xf32>
        %parallel_loop3A_122 = arith.mulf %parallel_loop3A_119, %parallel_loop3A_121 : vector<16xf32>
        %parallel_loop3A_123 = arith.index_cast %parallel_loop3A_91 : i32 to index
        %parallel_loop3A_124 = arith.constant 32 : index
        %parallel_loop3A_125 = tpu.vector_load %arg9[%parallel_loop3A_123, %parallel_loop3A_124] {strides = array<i32>} : memref<128x128xf32, #tpu.memory_space<vmem>>, vector<1x16xf32>,
        %parallel_loop3A_126 = vector.shape_cast %parallel_loop3A_125 : vector<1x16xf32> to vector<16xf32>
        %parallel_loop3A_127 = vector.shape_cast %parallel_loop3A_122 : vector<16xf32> to vector<1x16xf32>
        tpu.vector_store %arg9[%parallel_loop3A_123, %parallel_loop3A_124], %parallel_loop3A_127 {strides = array<i32>} : memref<128x128xf32, #tpu.memory_space<vmem>>, vector<1x16xf32>,
        %parallel_loop3A_128 = arith.index_cast %parallel_loop3A_91 : i32 to index
        %parallel_loop3A_129 = arith.constant 48 : index
        %parallel_loop3A_130 = tpu.vector_load %arg7[%parallel_loop3A_128, %parallel_loop3A_129] {strides = array<i32>} : memref<128x128xf32, #tpu.memory_space<vmem>>, vector<1x16xf32>,
        %parallel_loop3A_131 = vector.shape_cast %parallel_loop3A_130 : vector<1x16xf32> to vector<16xf32>
        %parallel_loop3A_132 = arith.constant 11.3137083 : f32
        %parallel_loop3A_133 = vector.broadcast %parallel_loop3A_132 : f32 to vector<16xf32>
        %parallel_loop3A_134 = arith.mulf %parallel_loop3A_131, %parallel_loop3A_133 : vector<16xf32>
        %parallel_loop3A_135 = arith.index_cast %parallel_loop3A_91 : i32 to index
        %parallel_loop3A_136 = arith.constant 48 : index
        %parallel_loop3A_137 = tpu.vector_load %arg9[%parallel_loop3A_135, %parallel_loop3A_136] {strides = array<i32>} : memref<128x128xf32, #tpu.memory_space<vmem>>, vector<1x16xf32>,
        %parallel_loop3A_138 = vector.shape_cast %parallel_loop3A_137 : vector<1x16xf32> to vector<16xf32>
        %parallel_loop3A_139 = vector.shape_cast %parallel_loop3A_134 : vector<16xf32> to vector<1x16xf32>
        tpu.vector_store %arg9[%parallel_loop3A_135, %parallel_loop3A_136], %parallel_loop3A_139 {strides = array<i32>} : memref<128x128xf32, #tpu.memory_space<vmem>>, vector<1x16xf32>,
        %parallel_loop3A_140 = arith.index_cast %parallel_loop3A_91 : i32 to index
        %parallel_loop3A_141 = arith.constant 64 : index
        %parallel_loop3A_142 = tpu.vector_load %arg7[%parallel_loop3A_140, %parallel_loop3A_141] {strides = array<i32>} : memref<128x128xf32, #tpu.memory_space<vmem>>, vector<1x16xf32>,
        %parallel_loop3A_143 = vector.shape_cast %parallel_loop3A_142 : vector<1x16xf32> to vector<16xf32>
        %parallel_loop3A_144 = arith.constant 11.3137083 : f32
        %parallel_loop3A_145 = vector.broadcast %parallel_loop3A_144 : f32 to vector<16xf32>
        %parallel_loop3A_146 = arith.mulf %parallel_loop3A_143, %parallel_loop3A_145 : vector<16xf32>
        %parallel_loop3A_147 = arith.index_cast %parallel_loop3A_91 : i32 to index
        %parallel_loop3A_148 = arith.constant 64 : index
        %parallel_loop3A_149 = tpu.vector_load %arg9[%parallel_loop3A_147, %parallel_loop3A_148] {strides = array<i32>} : memref<128x128xf32, #tpu.memory_space<vmem>>, vector<1x16xf32>,
        %parallel_loop3A_150 = vector.shape_cast %parallel_loop3A_149 : vector<1x16xf32> to vector<16xf32>
        %parallel_loop3A_151 = vector.shape_cast %parallel_loop3A_146 : vector<16xf32> to vector<1x16xf32>
        tpu.vector_store %arg9[%parallel_loop3A_147, %parallel_loop3A_148], %parallel_loop3A_151 {strides = array<i32>} : memref<128x128xf32, #tpu.memory_space<vmem>>, vector<1x16xf32>,
        %parallel_loop3A_152 = arith.index_cast %parallel_loop3A_91 : i32 to index
        %parallel_loop3A_153 = arith.constant 80 : index
        %parallel_loop3A_154 = tpu.vector_load %arg7[%parallel_loop3A_152, %parallel_loop3A_153] {strides = array<i32>} : memref<128x128xf32, #tpu.memory_space<vmem>>, vector<1x16xf32>,
        %parallel_loop3A_155 = vector.shape_cast %parallel_loop3A_154 : vector<1x16xf32> to vector<16xf32>
        %parallel_loop3A_156 = arith.constant 11.3137083 : f32
        %parallel_loop3A_157 = vector.broadcast %parallel_loop3A_156 : f32 to vector<16xf32>
        %parallel_loop3A_158 = arith.mulf %parallel_loop3A_155, %parallel_loop3A_157 : vector<16xf32>
        %parallel_loop3A_159 = arith.index_cast %parallel_loop3A_91 : i32 to index
        %parallel_loop3A_160 = arith.constant 80 : index
        %parallel_loop3A_161 = tpu.vector_load %arg9[%parallel_loop3A_159, %parallel_loop3A_160] {strides = array<i32>} : memref<128x128xf32, #tpu.memory_space<vmem>>, vector<1x16xf32>,
        %parallel_loop3A_162 = vector.shape_cast %parallel_loop3A_161 : vector<1x16xf32> to vector<16xf32>
        %parallel_loop3A_163 = vector.shape_cast %parallel_loop3A_158 : vector<16xf32> to vector<1x16xf32>
        tpu.vector_store %arg9[%parallel_loop3A_159, %parallel_loop3A_160], %parallel_loop3A_163 {strides = array<i32>} : memref<128x128xf32, #tpu.memory_space<vmem>>, vector<1x16xf32>,
        %parallel_loop3A_164 = arith.index_cast %parallel_loop3A_91 : i32 to index
        %parallel_loop3A_165 = arith.constant 96 : index
        %parallel_loop3A_166 = tpu.vector_load %arg7[%parallel_loop3A_164, %parallel_loop3A_165] {strides = array<i32>} : memref<128x128xf32, #tpu.memory_space<vmem>>, vector<1x16xf32>,
        %parallel_loop3A_167 = vector.shape_cast %parallel_loop3A_166 : vector<1x16xf32> to vector<16xf32>
        %parallel_loop3A_168 = arith.constant 11.3137083 : f32
        %parallel_loop3A_169 = vector.broadcast %parallel_loop3A_168 : f32 to vector<16xf32>
        %parallel_loop3A_170 = arith.mulf %parallel_loop3A_167, %parallel_loop3A_169 : vector<16xf32>
        %parallel_loop3A_171 = arith.index_cast %parallel_loop3A_91 : i32 to index
        %parallel_loop3A_172 = arith.constant 96 : index
        %parallel_loop3A_173 = tpu.vector_load %arg9[%parallel_loop3A_171, %parallel_loop3A_172] {strides = array<i32>} : memref<128x128xf32, #tpu.memory_space<vmem>>, vector<1x16xf32>,
        %parallel_loop3A_174 = vector.shape_cast %parallel_loop3A_173 : vector<1x16xf32> to vector<16xf32>
        %parallel_loop3A_175 = vector.shape_cast %parallel_loop3A_170 : vector<16xf32> to vector<1x16xf32>
        tpu.vector_store %arg9[%parallel_loop3A_171, %parallel_loop3A_172], %parallel_loop3A_175 {strides = array<i32>} : memref<128x128xf32, #tpu.memory_space<vmem>>, vector<1x16xf32>,
        %parallel_loop3A_176 = arith.index_cast %parallel_loop3A_91 : i32 to index
        %parallel_loop3A_177 = arith.constant 112 : index
        %parallel_loop3A_178 = tpu.vector_load %arg7[%parallel_loop3A_176, %parallel_loop3A_177] {strides = array<i32>} : memref<128x128xf32, #tpu.memory_space<vmem>>, vector<1x16xf32>,
        %parallel_loop3A_179 = vector.shape_cast %parallel_loop3A_178 : vector<1x16xf32> to vector<16xf32>
        %parallel_loop3A_180 = arith.constant 11.3137083 : f32
        %parallel_loop3A_181 = vector.broadcast %parallel_loop3A_180 : f32 to vector<16xf32>
        %parallel_loop3A_182 = arith.mulf %parallel_loop3A_179, %parallel_loop3A_181 : vector<16xf32>
        %parallel_loop3A_183 = arith.index_cast %parallel_loop3A_91 : i32 to index
        %parallel_loop3A_184 = arith.constant 112 : index
        %parallel_loop3A_185 = tpu.vector_load %arg9[%parallel_loop3A_183, %parallel_loop3A_184] {strides = array<i32>} : memref<128x128xf32, #tpu.memory_space<vmem>>, vector<1x16xf32>,
        %parallel_loop3A_186 = vector.shape_cast %parallel_loop3A_185 : vector<1x16xf32> to vector<16xf32>
        %parallel_loop3A_187 = vector.shape_cast %parallel_loop3A_182 : vector<16xf32> to vector<1x16xf32>
        tpu.vector_store %arg9[%parallel_loop3A_183, %parallel_loop3A_184], %parallel_loop3A_187 {strides = array<i32>} : memref<128x128xf32, #tpu.memory_space<vmem>>, vector<1x16xf32>,
      } {sc.loop_unroll_factor = 8 : i64, sc.parallel_access}
      %mul3A_77 = arith.constant 128 : i32
      %mul3A_78 = arith.muli %add3A_62, %mul3A_77 : i32
      %add3A_79 = arith.addi %mul3A_2, %mul3A_78 : i32
      %dma_start3A_80 = arith.constant 0 : i32
      %dma_start3A_81 = tpu.memref_slice %arg4[%add3A_79, %dma_start3A_80] : memref<204800x128xf32, #tpu.memory_space<hbm>> -> memref<128x128xf32, #tpu.memory_space<hbm>>
      %dma_start3A_82 = arith.constant 0 : i32
      %dma_start3A_83 = tpu.memref_slice %arg4[%add3A_79, %dma_start3A_82] : memref<204800x128xf32, #tpu.memory_space<hbm>> -> memref<128x128xf32, #tpu.memory_space<hbm>>
      tpu.enqueue_dma source(%arg9 : memref<128x128xf32, #tpu.memory_space<vmem>>) target(%dma_start3A_83 : memref<128x128xf32, #tpu.memory_space<hbm>>) target_semaphore(%arg13 : memref<!tpu.dma_semaphore, #tpu.memory_space<semaphore_mem>>)
      %add3A_84 = arith.constant 2 : i32
      %add3A_85 = arith.addi %add3A_62, %add3A_84 : i32
      %lt3A_86 = arith.constant 50 : i32
      %lt3A_87 = arith.cmpi slt, %add3A_85, %lt3A_86 : i32
      %convert_element_type3A_88 = arith.extui %lt3A_87 : i1 to i32
      %cond3A_89 = arith.constant 0 : i32
      %cond3A_90 = arith.cmpi ne, %convert_element_type3A_88, %cond3A_89 : i32
      scf.if %cond3A_90 {
        %dma_start3A_91 = arith.constant 0 : i32
        %dma_start3A_92 = tpu.memref_slice %arg5[%add3A_85, %dma_start3A_91] : memref<50x128xi32, #tpu.memory_space<vmem>> -> memref<1x128xi32, #tpu.memory_space<vmem>>
        %dma_start3A_93 = tpu.memref_squeeze %dma_start3A_92 : memref<1x128xi32, #tpu.memory_space<vmem>> -> memref<128xi32, #tpu.memory_space<vmem>>
        %dma_start3A_94 = arith.constant 0 : i32
        %dma_start3A_95 = arith.constant 0 : i32
        %dma_start3A_96 = tpu.memref_slice %arg3[%dma_start3A_94, %dma_start3A_95] : memref<100000x128xf32, #tpu.memory_space<hbm>> -> memref<100000x128xf32, #tpu.memory_space<hbm>>
        tpu.enqueue_indirect_dma source(%dma_start3A_96 : memref<100000x128xf32, #tpu.memory_space<hbm>>) target(%arg7 : memref<128x128xf32, #tpu.memory_space<vmem>>) offsets(%dma_start3A_93 : memref<128xi32, #tpu.memory_space<vmem>>) semaphore(%arg11 : memref<!tpu.dma_semaphore, #tpu.memory_space<semaphore_mem>>)
      } else {
      }
    }
    %scan3A_19 = arith.constant 25 : i32
    %add3A_20 = arith.constant 6144 : i32
    %add3A_21 = arith.addi %mul3A_2, %add3A_20 : i32
    %dma_wait3A = arith.constant 0 : i32
    %dma_wait3A_22 = tpu.memref_slice %arg4[%add3A_21, %dma_wait3A] : memref<204800x128xf32, #tpu.memory_space<hbm>> -> memref<128x128xf32, #tpu.memory_space<hbm>>
    %dma_wait3A_23 = arith.constant 0 : i32
    %dma_wait3A_24 = tpu.memref_slice %arg4[%add3A_21, %dma_wait3A_23] : memref<204800x128xf32, #tpu.memory_space<hbm>> -> memref<128x128xf32, #tpu.memory_space<hbm>>
    tpu.wait_dma2 semaphore(%arg12 : memref<!tpu.dma_semaphore, #tpu.memory_space<semaphore_mem>>) src(%arg8 : memref<128x128xf32, #tpu.memory_space<vmem>>) dst(%dma_wait3A_24 : memref<128x128xf32, #tpu.memory_space<hbm>>)
    %add3A_25 = arith.constant 6272 : i32
    %add3A_26 = arith.addi %mul3A_2, %add3A_25 : i32
    %dma_wait3A_27 = arith.constant 0 : i32
    %dma_wait3A_28 = tpu.memref_slice %arg4[%add3A_26, %dma_wait3A_27] : memref<204800x128xf32, #tpu.memory_space<hbm>> -> memref<128x128xf32, #tpu.memory_space<hbm>>
    %dma_wait3A_29 = arith.constant 0 : i32
    %dma_wait3A_30 = tpu.memref_slice %arg4[%add3A_26, %dma_wait3A_29] : memref<204800x128xf32, #tpu.memory_space<hbm>> -> memref<128x128xf32, #tpu.memory_space<hbm>>
    tpu.wait_dma2 semaphore(%arg13 : memref<!tpu.dma_semaphore, #tpu.memory_space<semaphore_mem>>) src(%arg9 : memref<128x128xf32, #tpu.memory_space<vmem>>) dst(%dma_wait3A_30 : memref<128x128xf32, #tpu.memory_space<hbm>>)
    return
  }
}

</mosaic_0001>

<sc_bundles>
// kernel: kernel.3.cloned.1.call-start
scs
__scs_entry_jumppad:
0x0: {  	(pc) =	sbr.rel $0x88, $3  }
0x1: {  	(tag) =	ssettag $0x0;
	lr =	simm.s32 $0x1  }
0x2: {  	[smem:$0x3F9F] =	sst lr;
	_ =	strace $0xD0000000  }
0x3: {  	_ = 	snop  }
0x4: {  	_ = 	snop  }
0x5: {  	_ = 	snop  }
0x6: {  	_ = 	snop  }
0x7: {  	_ = 	snop  }
__scs_overlays_trampoline_lowered:
0x8: {  	[smem:$0x3FAE] =	sst s0  }
0x9: {  	[smem:$0x3FAF] =	sst s1  }
0xa: {  	[smem:$0x3FB0] =	sst s2  }
0xb: {  	[smem:$0x3FB1] =	sst s3  }
0xc: {  	[smem:$0x3FB2] =	sst s4  }
0xd: {  	[smem:$0x3FB3] =	sst s5  }
0xe: {  	[smem:$0x3FB4] =	sst s6  }
0xf: {  	[smem:$0x3FB5] =	sst s7  }
0x10: {  	[smem:$0x3FB6] =	sst s8  }
0x11: {  	[smem:$0x3FB7] =	sst s9;
	s0 =	simm.s32 @!p0 $0x0  }
0x12: {  	s1 =	sld [smem:$0x3F9D];
	s0 =	simm.s32 @p0 $0x1  }
0x13: {  	[smem:$0x3FB8] =	sst s0;
	s0 =	simm.s32 @!p1 $0x0  }
0x14: {  	s2 =	sld [smem:$0x3F9C];
	s0 =	simm.s32 @p1 $0x1  }
0x15: {  	[smem:$0x3FB9] =	sst s0;
	s0 =	simm.s32 @!p2 $0x0  }
0x16: {  	s3 =	sld [smem:$0x3FDB];
	s0 =	simm.s32 @p2 $0x1  }
0x17: {  	s4 =	simm.s32 $0x1BF5;
	[smem:$0x3FBB] =	sst s0  }
0x18: {  	s0 =	sld [smem:$0x3F9E];
	_ =	swait.ge [sflag:s4], $0x0  }
0x19: {  	s7 =	sld [smem:$0x3F9F]  }
0x1a: {  	s8 =	sadd.s32 $0xFFFFE003, lr  }
0x1b: {  	s9 =	sadd.s32 $0xFFFFFEF7, lr;
	s5 =	simm.s32 $0xFFFFFFFF;
	p2 =	slt.u32 s8, $0xFFFFF086  }
0x1c: {  	p1 =	slt.u32 s9, $0xF7A;
	s5 =	simm.s32 @!p2 $0x0  }
0x1d: {  	s5 =	simm.s32 @p1 $0x1;
	p0 =	seq.s32 s7, s2  }
0x1e: {  	s7 =	smul.u32 @!p0 $0xF7A, s2;
	p2 =	seq.s32 @!p0 s5, $0x0  }
0x1f: {  	s9 =	smul.u32 $0xF7A, s1;
	s8 =	simm.s32 @!p0 $0x1BF5;
	p2 =	por !p2, p0  }
0x20: {  	[sflag:s8] =	ssyncset.s32 @!p0 $0xFFFFF086;
	s6 =	sadd.s32 @!p0 s3, s7;
	s7 =	simm.s32 @!p0 $0x108  }
0x21: {  	s3 =	sadd.s32 s3, s9;
	s6 =	sadd.s32 @!p0 $0x88, s6;
	s7 =	simm.s32 @p2 $0x1082  }
0x22: {  	[simem:s7], [sflag:s8] =	dma.local @!p0 [hbm:s6], $0xF7A  }
0x23: {  	s9 =	sor.u32 $0xD0000000, s2;
	s6 =	simm.s32 $0x108;
	_ =	swait.ge @!p0 [sflag:s8], $0x0  }
0x24: {  	s3 =	sadd.s32 $0x88, s3;
	s6 =	simm.s32 @!p1 $0x1082;
	[sflag:s4] =	ssyncset.s32 $0xFFFFF086  }
0x25: {  	[simem:s6], [sflag:s4] =	dma.local [hbm:s3], $0xF7A  }
0x26: {  	[smem:$0x3F9F] =	sst s1;
	(tag) =	ssettag s2;
	_ =	strace s9  }
0x27: {  	s1 =	sld [smem:$0x3FAF]  }
0x28: {  	s2 =	sld [smem:$0x3FB0]  }
0x29: {  	s4 =	sld [smem:$0x3FB2]  }
0x2a: {  	p0 =	seq.s32 s5, $0x0;
	s5 =	sld [smem:$0x3FB3]  }
0x2b: {  	s6 =	sld [smem:$0x3FB4]  }
0x2c: {  	s7 =	sld [smem:$0x3FB5]  }
0x2d: {  	s3 =	simm.s32 $0x108;
	s8 =	sld [smem:$0x3FB6]  }
0x2e: {  	s3 =	simm.s32 @!p0 $0x1082;
	s9 =	sld [smem:$0x3FB7]  }
0x2f: {  	lr =	sadd.s32 s0, s3;
	s0 =	sld [smem:$0x3FAE]  }
0x30: {  	s3 =	sld [smem:$0x3FB1]  }
0x31: {  	[smem:$0x3FBA] =	sst s10  }
0x32: {  	s10 =	sld [smem:$0x3FB8];
	_ =	sdelay $0x3  }
0x33: {  	p0 =	seq.s32 s10, $0x1;
	s10 =	sld [smem:$0x3FBA];
	_ =	sdelay $0x3  }
0x34: {  	[smem:$0x3FBA] =	sst s10  }
0x35: {  	s10 =	sld [smem:$0x3FB9];
	_ =	sdelay $0x3  }
0x36: {  	p1 =	seq.s32 s10, $0x1;
	s10 =	sld [smem:$0x3FBA];
	_ =	sdelay $0x3  }
0x37: {  	[smem:$0x3FBA] =	sst s10  }
0x38: {  	s10 =	sld [smem:$0x3FBB]  }
0x39: {  	_ = 	snop;
	(pc) =	sbr.ind lr, $3  }
0x3a: {  	_ = 	snop  }
0x3b: {  	_ = 	snop  }
0x3c: {  	p2 =	seq.s32 s10, $0x1;
	s10 =	sld [smem:$0x3FBA]  }
0x3d: {  	_ =	shalt  }
0x3e: {  	_ =	shalt  }
0x3f: {  	_ =	shalt  }
0x40: {  	_ =	shalt  }
0x41: {  	_ =	shalt  }
0x42: {  	_ =	shalt  }
0x43: {  	_ =	shalt  }
0x44: {  	_ =	shalt  }
0x45: {  	_ =	shalt  }
0x46: {  	_ =	shalt  }
0x47: {  	_ =	shalt  }
0x48: {  	_ =	shalt  }
0x49: {  	_ =	shalt  }
0x4a: {  	_ =	shalt  }
0x4b: {  	_ =	shalt  }
0x4c: {  	_ =	shalt  }
0x4d: {  	_ =	shalt  }
0x4e: {  	_ =	shalt  }
0x4f: {  	_ =	shalt  }
0x50: {  	_ =	shalt  }
0x51: {  	_ =	shalt  }
0x52: {  	_ =	shalt  }
0x53: {  	_ =	shalt  }
0x54: {  	_ =	shalt  }
0x55: {  	_ =	shalt  }
0x56: {  	_ =	shalt  }
0x57: {  	_ =	shalt  }
0x58: {  	_ =	shalt  }
0x59: {  	_ =	shalt  }
0x5a: {  	_ =	shalt  }
0x5b: {  	_ =	shalt  }
0x5c: {  	_ =	shalt  }
0x5d: {  	_ =	shalt  }
0x5e: {  	_ =	shalt  }
0x5f: {  	_ =	shalt  }
0x60: {  	_ =	shalt  }
0x61: {  	_ =	shalt  }
0x62: {  	_ =	shalt  }
0x63: {  	_ =	shalt  }
0x64: {  	_ =	shalt  }
0x65: {  	_ =	shalt  }
0x66: {  	_ =	shalt  }
0x67: {  	_ =	shalt  }
0x68: {  	_ =	shalt  }
0x69: {  	_ =	shalt  }
0x6a: {  	_ =	shalt  }
0x6b: {  	_ =	shalt  }
0x6c: {  	_ =	shalt  }
0x6d: {  	_ =	shalt  }
0x6e: {  	_ =	shalt  }
0x6f: {  	_ =	shalt  }
0x70: {  	_ =	shalt  }
0x71: {  	_ =	shalt  }
0x72: {  	_ =	shalt  }
0x73: {  	_ =	shalt  }
0x74: {  	_ =	shalt  }
0x75: {  	_ =	shalt  }
0x76: {  	_ =	shalt  }
0x77: {  	_ =	shalt  }
0x78: {  	_ =	shalt  }
0x79: {  	_ =	shalt  }
0x7a: {  	_ =	shalt  }
0x7b: {  	_ =	shalt  }
0x7c: {  	_ =	shalt  }
0x7d: {  	_ =	shalt  }
0x7e: {  	_ =	shalt  }
0x7f: {  	_ =	shalt  }
0x80: {  	_ =	shalt  }
0x81: {  	_ =	shalt  }
0x82: {  	_ =	shalt  }
0x83: {  	_ =	shalt  }
0x84: {  	_ =	shalt  }
0x85: {  	_ =	shalt  }
0x86: {  	_ =	shalt  }
0x87: {  	_ =	shalt  }
.Lfunc_end0:
.L_simem_size_0:
called_computation_lowered:
.L_overlay_start_0:
0x88: {  	s2 =	sld [smem:$0x3FD9]  }
0x89: {  	s3 =	sld [smem:$0x3FFE];
	_ =	sdelay $0x1  }
0x8a: {  	s1 =	srdreg.scid  }
0x8b: {  	s0 =	sand.u32 $0x1, s1  }
0x8c: {  	s17 =	sshll.u32 s0, $0xA;
	s2 =	sadd.s32 s3, s2  }
0x8d: {  	s2 =	sadd.s32 s2, s17  }
0x8e: {  	[smem:$0x3FC6] =	sst s2  }
0x8f: {  	_ = 	snop  }
0x90: {  	s2 =	sld [smem:$0x3FC8]  }
0x91: {  	s18 =	sld [smem:$0x3FD0];
	(tm) =	ssettm $0x1  }
0x92: {  	s4 =	sld [smem:$0x3FFB];
	_ =	sdelay $0x3  }
0x93: {  	_ =	strace s4  }
0x94: {  	s4 =	sld [smem:$0x3FFC];
	_ =	sdelay $0x3  }
0x95: {  	_ =	strace s4  }
0x96: {  	s4 =	sld [smem:$0x3FFD];
	_ =	sdelay $0x3  }
0x97: {  	_ =	strace s4  }
0x98: {  	_ =	strace $0x8FFFFFFF  }
0x99: {  	s19 =	sld [smem:$0x3FDB];
	_ =	sdelay $0x1  }
0x9a: {  	s5 =	simm.s32 $_scs_section_size  }
0x9b: {  	s6 =	simm.s32 $_size__tile_overlayer_lowered;
	s7 =	simm.s32 $_tile_overlayer_lowered  }
0x9c: {  	s22 =	simm.s32 $0x1BFF;
	s21 =	sshll.u32 s7, $0x1;
	s4 =	sadd.s32 s5, s19  }
0x9d: {  	s8 =	simm.s32 $0x0;
	s20 =	sshll.u32 s6, $0x1;
	s6 =	sadd.s32 s21, s4  }
0x9e: {  	[timem:s8], [sflag:s22] =	dma.local [hbm:s6], s20  }
0x9f: {  	_ =	swait.ge [sflag:s22], s20  }
0xa0: {  	s5 =	ssub.s32 $0x0, s20;
	[sflag:s22] =	ssyncset.done $0x0  }
0xa1: {  	[sflag:s22] =	ssyncadd.s32 s5;
	_ =	sdelay $0x1  }
0xa2: {  	s23 =	simm.s32 $0x1B8B  }
0xa3: {  	_ =	swait.ge [sflag:s23], $0x1  }
0xa4: {  	[sflag:s23] =	ssyncset.done $0x0  }
0xa5: {  	s25 =	simm.s32 $0x1B8E;
	s24 =	sld [smem:$0x3FFE];
	[sflag:s23] =	ssyncadd.s32 $0xFFFFFFFF  }
0xa6: {  	s26 =	simm.s32 $execute0_lowered;
	[smem:$0x3FD2] =	sst s25  }
0xa7: {  	s6 =	sshll.u32 s26, $0x1;
	_ =	strace $0x80000046;
	[dreg:$0x1] =	wrdreg $0xFFFFFFFF  }
0xa8: {  	s28 =	simm.s32 $_size_execute0_lowered;
	s4 =	sadd.s32 s4, s6;
	[dreg:$0x0] =	wrdreg $0x0  }
0xa9: {  	s6 =	sshll.u32 s28, $0x1;
	[dreg:$0x2] =	wrdreg s4  }
0xaa: {  	[dreg:$0x3] =	wrdreg s6  }
0xab: {  	[dreg:$0x4] =	wrdreg $0xC0  }
0xac: {  	_ =	task [dreg:s8], $0x5FFFF  }
0xad: {  	[dreg:$0x1] =	wrdreg $0xFFFFFFFF  }
0xae: {  	[dreg:$0x0] =	wrdreg $0x60  }
0xaf: {  	[dreg:$0x2] =	wrdreg s24  }
0xb0: {  	[dreg:$0x3] =	wrdreg s2  }
0xb1: {  	[dreg:$0x4] =	wrdreg s18  }
0xb2: {  	[dreg:$0x5] =	wrdreg $0x9  }
0xb3: {  	_ =	task.clear_ibuf [dreg:s8], $0x6FFFF;
	_ =	strace $0x90000046  }
0xb4: {  	s29 =	simm.s32 $0x9;
	_ =	strace $0x80000048  }
0xb5: {  	_ =	swait.ge [sflag:s29], $0x1  }
0xb6: {  	[sflag:s29] =	ssyncadd.s32 $0xFFFFFFFF  }
0xb7: {  	_ =	strace $0x90000048  }
0xb8: {  	_ =	sfence  }
0xb9: {  	s30 =	sld [smem:$0x0];
	_ =	sdelay $0x2  }
0xba: {  	s31 =	sshll.u32 s1, $0xD;
	s1 =	sshrl.u32 s1, $0x2  }
0xbb: {  	s3 =	sand.u32 $0x4000, s31;
	s1 =	sadd.s32 s1, s30  }
0xbc: {  	s0 =	sor.u32 s3, s0;
	s1 =	sshll.u32 s1, $0x11  }
0xbd: {  	s0 =	sor.u32 s1, s0  }
0xbe: {  	s0 =	sadd.s32 $0x8F2B, s0  }
0xbf: {  	[sflag:s0] =	ssyncadd.remote.s32 $0x1  }
0xc0: {  	_ =	sfence.sel $0xFFFF  }
0xc1: {  	[dreg:$0x0] =	wrdreg $0xFFFFFFFF;
	(pc) =	sbr.abs _section_cstart, $3  }
0xc2: {  	[dreg:$0x1] =	wrdreg $0xFFFFFFFF  }
0xc3: {  	_ =	task.clear_ibuf [dreg:s8], $0x2FFFF;
	_ =	strace $0x9FFFFFFF  }
0xc4: {  	(tm) =	ssettm $0x7FFFFFFF  }
0xc5: {  	_ =	shalt  }
tec
execute0_lowered:
.L_overlay_start_1:
0x0: {  	(tag) =	ssettag $0x1  }
0x1: {  	s5 =	rddreg [dreg:$0x0]  }
0x2: {  	s1 =	srdreg.scid;
	s2 =	rddreg [dreg:$0x1]  }
0x3: {  	s0 =	stileid.u32;
	s3 =	rddreg [dreg:$0x2]  }
0x4: {  	s4 =	simm.s32 $0x0;
	s10 =	simm.s32 $0x80;
	s11 =	simm.s32 $0x1C00  }
0x5: {  	s12 =	simm.s32 $0x5C00;
	s13 =	simm.s32 $0x1;
	s14 =	simm.s32 $0x9C00  }
0x6: {  	s15 =	simm.s32 $0x2;
	s6 =	sand.u32 $0x1, s1;
	s29 =	sshll.u32 s0, $0x1  }
0x7: {  	s16 =	simm.s32 $0xDC00;
	s17 =	simm.s32 $0x3;
	s7 =	sor.u32 s6, s29  }
0x8: {  	s18 =	simm.s32 $0x4;
	s19 =	simm.s32 $0x0;
	s8 =	smul.u32 $0x380, s7  }
.Ltmp0:
0x9: {  	s1 =	rddreg [dreg:$0x3];
	s6 =	ssub.s32 $0x2, s6;
	(pc) =	sbr.rel .LBB2_1-.Ltmp0, $4  }
0xa: {  	[smem:$0x7FF] =	sst s4;
	s30 =	sshrl.u32 s6, $0x1;
	s9 =	smul.u32 $0x19000, s7  }
0xb: {  	_ =	strace $0x80000047;
	s5 =	sadd.s32 s8, s5;
	s8 =	ssub.s32 s6, s30  }
0xc: {  	s6 =	smul.u32 $0xC8000, s7;
	s31 =	sadd.s32 s9, s3;
	s9 =	simm.s32 $0x5  }
0xd: {  	s5 =	sadd.s32 $0x400, s5;
	s7 =	smax.u32 s8, $0x1;
	s8 =	sadd.s32 $0x800, s31  }
.LBB2_8:
0xe: {  	s19 =	sadd.s32 $0x1, s19  }
0xf: {  	_ =	swait.ge [sflag:s17], $0x4000;
	p0 =	sne.s32 s19, s7  }
.Ltmp1:
0x10: {  	[sflag:s17] =	ssyncset.done $0x0;
	(pc) =	sbr.rel @!p0 .LBB2_9-.Ltmp1, $4  }
0x11: {  	[sflag:s17] =	ssyncadd.s32 $0xFFFFC000  }
0x12: {  	_ =	swait.ge [sflag:s18], $0x4000  }
0x13: {  	[sflag:s18] =	ssyncset.done $0x0  }
0x14: {  	[sflag:s18] =	ssyncadd.s32 $0xFFFFC000  }
.LBB2_1:
0x15: {  	[tilespmem:s4], [sflag:$0x5] =	stream.linear.gather [hbm4b:s5+s4], $0x1900, $0x38;
	[tilespmem:$0x11C00] =	vst v63  }
0x16: {  	_ =	swait.ge [sflag:s9], $0x1900  }
0x17: {  	[sflag:s9] =	ssyncset.done $0x0  }
0x18: {  	[sflag:s9] =	ssyncadd.s32 $0xFFFFE700  }
0x19: {  	[tilespmem:s11], [sflag:$0x1] =	stream.indirect.gather [hbm4b:s2+s10], $0x80, s4, s10, $0xb8;
	[tilespmem:$0x11C00] =	vst v63  }
0x1a: {  	s20 =	simm.s32 $0x0  }
0x1b: {  	[tilespmem:s12], [sflag:$0x2] =	stream.indirect.gather [hbm4b:s2+s10], $0x80, s10, s10, $0xb8;
	[tilespmem:$0x11C00] =	vst v63  }
.LBB2_2:
0x1c: {  	p0 =	seq.s32 s20, $0x0  }
0x1d: {  	s21 =	simm.s32 @!p0 $0x3  }
0x1e: {  	_ =	swait.ge @!p0 [sflag:s21], $0x4000  }
0x1f: {  	[sflag:s21] =	ssyncset.done @!p0 $0x0  }
0x20: {  	[sflag:s21] =	ssyncadd.s32 @!p0 $0xFFFFC000  }
0x21: {  	_ =	swait.ge [sflag:s13], $0x4000  }
0x22: {  	[sflag:s13] =	ssyncset.done $0x0  }
0x23: {  	s24 =	simm.s32 $0x1E00;
	[sflag:s13] =	ssyncadd.s32 $0xFFFFC000  }
0x24: {  	v0 =	vld [tilespmem:s24+$0x180]  }
0x25: {  	v1 =	vld [tilespmem:s24+$0xFFFFFE80]  }
0x26: {  	v2 =	vld [tilespmem:s24+$0xFFFFFF00]  }
0x27: {  	v3 =	vld [tilespmem:s24+$0xFFFFFF80]  }
0x28: {  	v4 =	vld [tilespmem:s24+$0x0]  }
0x29: {  	v5 =	vld [tilespmem:s24+$0x80];
	v0 =	vmul.f32 $1.131370830e+01, v0  }
0x2a: {  	s22 =	simm.s32 $0x9E00;
	v6 =	vld [tilespmem:s24+$0x100];
	v1 =	vmul.f32 $1.131370830e+01, v1  }
0x2b: {  	v7 =	vld [tilespmem:s24+$0xFFFFFE00];
	v2 =	vmul.f32 $1.131370830e+01, v2;
	[tilespmem:s22+$0x180] =	vst v0  }
0x2c: {  	[tilespmem:s22+$0xFFFFFE80] =	vst v1;
	v0 =	vmul.f32 $1.131370830e+01, v3;
	v1 =	vld [tilespmem:s24+$0x190]  }
0x2d: {  	[tilespmem:s22+$0xFFFFFF00] =	vst v2;
	v2 =	vmul.f32 $1.131370830e+01, v4;
	v3 =	vld [tilespmem:s24+$0xFFFFFE90]  }
0x2e: {  	v4 =	vld [tilespmem:s24+$0xFFFFFF10];
	[tilespmem:s22+$0xFFFFFF80] =	vst v0;
	v0 =	vmul.f32 $1.131370830e+01, v5  }
0x2f: {  	[tilespmem:s22+$0x0] =	vst v2;
	v2 =	vmul.f32 $1.131370830e+01, v6;
	v5 =	vld [tilespmem:s24+$0xFFFFFF90]  }
0x30: {  	v6 =	vmul.f32 $1.131370830e+01, v7;
	v7 =	vld [tilespmem:s24+$0x10];
	[tilespmem:s22+$0x80] =	vst v0  }
0x31: {  	[tilespmem:s22+$0x100] =	vst v2;
	v0 =	vld [tilespmem:s24+$0x90];
	v1 =	vmul.f32 $1.131370830e+01, v1  }
0x32: {  	[tilespmem:s22+$0xFFFFFE00] =	vst v6;
	v2 =	vmul.f32 $1.131370830e+01, v3;
	v3 =	vld [tilespmem:s24+$0x110]  }
0x33: {  	v6 =	vld [tilespmem:s24+$0xFFFFFE10];
	v4 =	vmul.f32 $1.131370830e+01, v4;
	[tilespmem:s22+$0x190] =	vst v1  }
0x34: {  	[tilespmem:s22+$0xFFFFFE90] =	vst v2;
	v1 =	vmul.f32 $1.131370830e+01, v5;
	v2 =	vld [tilespmem:s24+$0x1A0]  }
0x35: {  	[tilespmem:s22+$0xFFFFFF10] =	vst v4;
	v4 =	vmul.f32 $1.131370830e+01, v7;
	v5 =	vld [tilespmem:s24+$0xFFFFFEA0]  }
0x36: {  	v7 =	vld [tilespmem:s24+$0xFFFFFF20];
	[tilespmem:s22+$0xFFFFFF90] =	vst v1;
	v0 =	vmul.f32 $1.131370830e+01, v0  }
0x37: {  	[tilespmem:s22+$0x10] =	vst v4;
	v1 =	vld [tilespmem:s24+$0xFFFFFFA0];
	v3 =	vmul.f32 $1.131370830e+01, v3  }
0x38: {  	v4 =	vmul.f32 $1.131370830e+01, v6;
	v6 =	vld [tilespmem:s24+$0x20];
	[tilespmem:s22+$0x90] =	vst v0  }
0x39: {  	v0 =	vld [tilespmem:s24+$0xA0];
	[tilespmem:s22+$0x110] =	vst v3;
	v2 =	vmul.f32 $1.131370830e+01, v2  }
0x3a: {  	[tilespmem:s22+$0xFFFFFE10] =	vst v4;
	v3 =	vmul.f32 $1.131370830e+01, v5;
	v4 =	vld [tilespmem:s24+$0x120]  }
0x3b: {  	v5 =	vld [tilespmem:s24+$0xFFFFFE20];
	v7 =	vmul.f32 $1.131370830e+01, v7;
	[tilespmem:s22+$0x1A0] =	vst v2  }
0x3c: {  	[tilespmem:s22+$0xFFFFFEA0] =	vst v3;
	v1 =	vmul.f32 $1.131370830e+01, v1;
	v2 =	vld [tilespmem:s24+$0x1B0]  }
0x3d: {  	[tilespmem:s22+$0xFFFFFF20] =	vst v7;
	v6 =	vmul.f32 $1.131370830e+01, v6;
	v3 =	vld [tilespmem:s24+$0xFFFFFEB0]  }
0x3e: {  	v7 =	vld [tilespmem:s24+$0xFFFFFF30];
	[tilespmem:s22+$0xFFFFFFA0] =	vst v1;
	v0 =	vmul.f32 $1.131370830e+01, v0  }
0x3f: {  	[tilespmem:s22+$0x20] =	vst v6;
	v1 =	vld [tilespmem:s24+$0xFFFFFFB0];
	v4 =	vmul.f32 $1.131370830e+01, v4  }
0x40: {  	v5 =	vmul.f32 $1.131370830e+01, v5;
	v6 =	vld [tilespmem:s24+$0x30];
	[tilespmem:s22+$0xA0] =	vst v0  }
0x41: {  	v0 =	vld [tilespmem:s24+$0xB0];
	[tilespmem:s22+$0x120] =	vst v4;
	v2 =	vmul.f32 $1.131370830e+01, v2  }
0x42: {  	[tilespmem:s22+$0xFFFFFE20] =	vst v5;
	v3 =	vmul.f32 $1.131370830e+01, v3;
	v4 =	vld [tilespmem:s24+$0x130]  }
0x43: {  	v5 =	vld [tilespmem:s24+$0xFFFFFE30];
	v7 =	vmul.f32 $1.131370830e+01, v7;
	[tilespmem:s22+$0x1B0] =	vst v2  }
0x44: {  	[tilespmem:s22+$0xFFFFFEB0] =	vst v3;
	v1 =	vmul.f32 $1.131370830e+01, v1;
	v2 =	vld [tilespmem:s24+$0x1C0]  }
0x45: {  	[tilespmem:s22+$0xFFFFFF30] =	vst v7;
	v6 =	vmul.f32 $1.131370830e+01, v6;
	v3 =	vld [tilespmem:s24+$0xFFFFFEC0]  }
0x46: {  	v7 =	vld [tilespmem:s24+$0xFFFFFF40];
	[tilespmem:s22+$0xFFFFFFB0] =	vst v1;
	v0 =	vmul.f32 $1.131370830e+01, v0  }
0x47: {  	[tilespmem:s22+$0x30] =	vst v6;
	v1 =	vld [tilespmem:s24+$0xFFFFFFC0];
	v4 =	vmul.f32 $1.131370830e+01, v4  }
0x48: {  	v5 =	vmul.f32 $1.131370830e+01, v5;
	v6 =	vld [tilespmem:s24+$0x40];
	[tilespmem:s22+$0xB0] =	vst v0  }
0x49: {  	v0 =	vld [tilespmem:s24+$0xC0];
	[tilespmem:s22+$0x130] =	vst v4;
	v2 =	vmul.f32 $1.131370830e+01, v2  }
0x4a: {  	[tilespmem:s22+$0xFFFFFE30] =	vst v5;
	v3 =	vmul.f32 $1.131370830e+01, v3;
	v4 =	vld [tilespmem:s24+$0x140]  }
0x4b: {  	v5 =	vld [tilespmem:s24+$0xFFFFFE40];
	v7 =	vmul.f32 $1.131370830e+01, v7;
	[tilespmem:s22+$0x1C0] =	vst v2  }
0x4c: {  	[tilespmem:s22+$0xFFFFFEC0] =	vst v3;
	v1 =	vmul.f32 $1.131370830e+01, v1;
	v2 =	vld [tilespmem:s24+$0x1D0]  }
0x4d: {  	[tilespmem:s22+$0xFFFFFF40] =	vst v7;
	v6 =	vmul.f32 $1.131370830e+01, v6;
	v3 =	vld [tilespmem:s24+$0xFFFFFED0]  }
0x4e: {  	v7 =	vld [tilespmem:s24+$0xFFFFFF50];
	[tilespmem:s22+$0xFFFFFFC0] =	vst v1;
	v0 =	vmul.f32 $1.131370830e+01, v0  }
0x4f: {  	[tilespmem:s22+$0x40] =	vst v6;
	v1 =	vld [tilespmem:s24+$0xFFFFFFD0];
	v4 =	vmul.f32 $1.131370830e+01, v4  }
0x50: {  	v5 =	vmul.f32 $1.131370830e+01, v5;
	v6 =	vld [tilespmem:s24+$0x50];
	[tilespmem:s22+$0xC0] =	vst v0  }
0x51: {  	v0 =	vld [tilespmem:s24+$0xD0];
	[tilespmem:s22+$0x140] =	vst v4;
	v2 =	vmul.f32 $1.131370830e+01, v2  }
0x52: {  	[tilespmem:s22+$0xFFFFFE40] =	vst v5;
	v3 =	vmul.f32 $1.131370830e+01, v3;
	v4 =	vld [tilespmem:s24+$0x150]  }
0x53: {  	v5 =	vld [tilespmem:s24+$0xFFFFFE50];
	v7 =	vmul.f32 $1.131370830e+01, v7;
	[tilespmem:s22+$0x1D0] =	vst v2  }
0x54: {  	[tilespmem:s22+$0xFFFFFED0] =	vst v3;
	v1 =	vmul.f32 $1.131370830e+01, v1;
	v2 =	vld [tilespmem:s24+$0x1E0]  }
0x55: {  	[tilespmem:s22+$0xFFFFFF50] =	vst v7;
	v6 =	vmul.f32 $1.131370830e+01, v6;
	v3 =	vld [tilespmem:s24+$0xFFFFFEE0]  }
0x56: {  	v7 =	vld [tilespmem:s24+$0xFFFFFF60];
	[tilespmem:s22+$0xFFFFFFD0] =	vst v1;
	v0 =	vmul.f32 $1.131370830e+01, v0  }
0x57: {  	[tilespmem:s22+$0x50] =	vst v6;
	v1 =	vld [tilespmem:s24+$0xFFFFFFE0];
	v4 =	vmul.f32 $1.131370830e+01, v4  }
0x58: {  	v5 =	vmul.f32 $1.131370830e+01, v5;
	v6 =	vld [tilespmem:s24+$0x60];
	[tilespmem:s22+$0xD0] =	vst v0  }
0x59: {  	v0 =	vld [tilespmem:s24+$0xE0];
	[tilespmem:s22+$0x150] =	vst v4;
	v2 =	vmul.f32 $1.131370830e+01, v2  }
0x5a: {  	[tilespmem:s22+$0xFFFFFE50] =	vst v5;
	v3 =	vmul.f32 $1.131370830e+01, v3;
	v4 =	vld [tilespmem:s24+$0x160]  }
0x5b: {  	v5 =	vld [tilespmem:s24+$0xFFFFFE60];
	v7 =	vmul.f32 $1.131370830e+01, v7;
	[tilespmem:s22+$0x1E0] =	vst v2  }
0x5c: {  	[tilespmem:s22+$0xFFFFFEE0] =	vst v3;
	v1 =	vmul.f32 $1.131370830e+01, v1;
	v3 =	vld [tilespmem:s24+$0x1F0]  }
0x5d: {  	[tilespmem:s22+$0xFFFFFF60] =	vst v7;
	v2 =	vmul.f32 $1.131370830e+01, v6;
	v8 =	vld [tilespmem:s24+$0xFFFFFEF0]  }
0x5e: {  	v7 =	vld [tilespmem:s24+$0xFFFFFF70];
	[tilespmem:s22+$0xFFFFFFE0] =	vst v1;
	v1 =	vmul.f32 $1.131370830e+01, v0  }
0x5f: {  	[tilespmem:s22+$0x60] =	vst v2;
	v0 =	vld [tilespmem:s24+$0xFFFFFFF0];
	v4 =	vmul.f32 $1.131370830e+01, v4  }
0x60: {  	v5 =	vmul.f32 $1.131370830e+01, v5;
	v2 =	vld [tilespmem:s24+$0x70];
	[tilespmem:s22+$0xE0] =	vst v1  }
0x61: {  	v1 =	vld [tilespmem:s24+$0xF0];
	[tilespmem:s22+$0x160] =	vst v4;
	v9 =	vmul.f32 $1.131370830e+01, v3  }
0x62: {  	[tilespmem:s22+$0xFFFFFE60] =	vst v5;
	v3 =	vld [tilespmem:s24+$0x170];
	v6 =	vmul.f32 $1.131370830e+01, v8  }
0x63: {  	s23 =	simm.s32 $0x0;
	s21 =	sshll.u32 s20, $0xA;
	v4 =	vld [tilespmem:s24+$0xFFFFFE70];
	v5 =	vmul.f32 $1.131370830e+01, v7;
	s24 =	simm.s32 $0x2200;
	[tilespmem:s22+$0x1F0] =	vst v9  }
.LBB2_3:
0x64: {  	v7 =	vld [tilespmem:s24+$0x180];
	s23 =	sadd.s32 $0x8, s23;
	[tilespmem:s22+$0xFFFFFEF0] =	vst v6;
	v0 =	vmul.f32 $1.131370830e+01, v0  }
0x65: {  	v6 =	vld [tilespmem:s24+$0xFFFFFE80];
	p0 =	slt.u32 s23, $0x78;
	[tilespmem:s22+$0xFFFFFF70] =	vst v5;
	v2 =	vmul.f32 $1.131370830e+01, v2  }
0x66: {  	v5 =	vld [tilespmem:s24+$0xFFFFFF00];
	[tilespmem:s22+$0xFFFFFFF0] =	vst v0;
	v0 =	vmul.f32 $1.131370830e+01, v1  }
0x67: {  	v1 =	vld [tilespmem:s24+$0xFFFFFF80];
	[tilespmem:s22+$0x70] =	vst v2;
	v2 =	vmul.f32 $1.131370830e+01, v3  }
0x68: {  	v3 =	vld [tilespmem:s24+$0x0];
	v4 =	vmul.f32 $1.131370830e+01, v4;
	[tilespmem:s22+$0xF0] =	vst v0  }
0x69: {  	v0 =	vld [tilespmem:s24+$0x80];
	v7 =	vmul.f32 $1.131370830e+01, v7;
	[tilespmem:s22+$0x170] =	vst v2  }
0x6a: {  	v2 =	vmul.f32 $1.131370830e+01, v6;
	v6 =	vld [tilespmem:s24+$0x100];
	[tilespmem:s22+$0xFFFFFE70] =	vst v4;
	s22 =	sadd.s32 $0x400, s22  }
0x6b: {  	v4 =	vld [tilespmem:s24+$0xFFFFFE00];
	v5 =	vmul.f32 $1.131370830e+01, v5;
	[tilespmem:s22+$0x180] =	vst v7  }
0x6c: {  	[tilespmem:s22+$0xFFFFFE80] =	vst v2;
	v1 =	vmul.f32 $1.131370830e+01, v1;
	v2 =	vld [tilespmem:s24+$0x190]  }
0x6d: {  	v7 =	vld [tilespmem:s24+$0xFFFFFE90];
	[tilespmem:s22+$0xFFFFFF00] =	vst v5;
	v3 =	vmul.f32 $1.131370830e+01, v3  }
0x6e: {  	v5 =	vld [tilespmem:s24+$0xFFFFFF10];
	[tilespmem:s22+$0xFFFFFF80] =	vst v1;
	v0 =	vmul.f32 $1.131370830e+01, v0  }
0x6f: {  	v1 =	vld [tilespmem:s24+$0xFFFFFF90];
	[tilespmem:s22+$0x0] =	vst v3;
	v3 =	vmul.f32 $1.131370830e+01, v6  }
0x70: {  	v4 =	vmul.f32 $1.131370830e+01, v4;
	v6 =	vld [tilespmem:s24+$0x10];
	[tilespmem:s22+$0x80] =	vst v0  }
0x71: {  	v0 =	vld [tilespmem:s24+$0x90];
	[tilespmem:s22+$0x100] =	vst v3;
	v2 =	vmul.f32 $1.131370830e+01, v2  }
0x72: {  	[tilespmem:s22+$0xFFFFFE00] =	vst v4;
	v3 =	vmul.f32 $1.131370830e+01, v7;
	v4 =	vld [tilespmem:s24+$0x110]  }
0x73: {  	v7 =	vld [tilespmem:s24+$0xFFFFFE10];
	v5 =	vmul.f32 $1.131370830e+01, v5;
	[tilespmem:s22+$0x190] =	vst v2  }
0x74: {  	[tilespmem:s22+$0xFFFFFE90] =	vst v3;
	v1 =	vmul.f32 $1.131370830e+01, v1;
	v2 =	vld [tilespmem:s24+$0x1A0]  }
0x75: {  	v3 =	vld [tilespmem:s24+$0xFFFFFEA0];
	[tilespmem:s22+$0xFFFFFF10] =	vst v5;
	v5 =	vmul.f32 $1.131370830e+01, v6  }
0x76: {  	v6 =	vld [tilespmem:s24+$0xFFFFFF20];
	[tilespmem:s22+$0xFFFFFF90] =	vst v1;
	v0 =	vmul.f32 $1.131370830e+01, v0  }
0x77: {  	v1 =	vld [tilespmem:s24+$0xFFFFFFA0];
	[tilespmem:s22+$0x10] =	vst v5;
	v4 =	vmul.f32 $1.131370830e+01, v4  }
0x78: {  	v5 =	vmul.f32 $1.131370830e+01, v7;
	v7 =	vld [tilespmem:s24+$0x20];
	[tilespmem:s22+$0x90] =	vst v0  }
0x79: {  	v0 =	vld [tilespmem:s24+$0xA0];
	[tilespmem:s22+$0x110] =	vst v4;
	v2 =	vmul.f32 $1.131370830e+01, v2  }
0x7a: {  	[tilespmem:s22+$0xFFFFFE10] =	vst v5;
	v3 =	vmul.f32 $1.131370830e+01, v3;
	v4 =	vld [tilespmem:s24+$0x120]  }
0x7b: {  	v5 =	vld [tilespmem:s24+$0xFFFFFE20];
	v6 =	vmul.f32 $1.131370830e+01, v6;
	[tilespmem:s22+$0x1A0] =	vst v2  }
0x7c: {  	[tilespmem:s22+$0xFFFFFEA0] =	vst v3;
	v1 =	vmul.f32 $1.131370830e+01, v1;
	v2 =	vld [tilespmem:s24+$0x1B0]  }
0x7d: {  	v3 =	vld [tilespmem:s24+$0xFFFFFEB0];
	[tilespmem:s22+$0xFFFFFF20] =	vst v6;
	v6 =	vmul.f32 $1.131370830e+01, v7  }
0x7e: {  	v7 =	vld [tilespmem:s24+$0xFFFFFF30];
	[tilespmem:s22+$0xFFFFFFA0] =	vst v1;
	v0 =	vmul.f32 $1.131370830e+01, v0  }
0x7f: {  	v1 =	vld [tilespmem:s24+$0xFFFFFFB0];
	[tilespmem:s22+$0x20] =	vst v6;
	v4 =	vmul.f32 $1.131370830e+01, v4  }
0x80: {  	v5 =	vmul.f32 $1.131370830e+01, v5;
	v6 =	vld [tilespmem:s24+$0x30];
	[tilespmem:s22+$0xA0] =	vst v0  }
0x81: {  	v0 =	vld [tilespmem:s24+$0xB0];
	[tilespmem:s22+$0x120] =	vst v4;
	v2 =	vmul.f32 $1.131370830e+01, v2  }
0x82: {  	[tilespmem:s22+$0xFFFFFE20] =	vst v5;
	v3 =	vmul.f32 $1.131370830e+01, v3;
	v4 =	vld [tilespmem:s24+$0x130]  }
0x83: {  	v5 =	vld [tilespmem:s24+$0xFFFFFE30];
	v7 =	vmul.f32 $1.131370830e+01, v7;
	[tilespmem:s22+$0x1B0] =	vst v2  }
0x84: {  	[tilespmem:s22+$0xFFFFFEB0] =	vst v3;
	v1 =	vmul.f32 $1.131370830e+01, v1;
	v2 =	vld [tilespmem:s24+$0x1C0]  }
0x85: {  	v3 =	vld [tilespmem:s24+$0xFFFFFEC0];
	[tilespmem:s22+$0xFFFFFF30] =	vst v7;
	v6 =	vmul.f32 $1.131370830e+01, v6  }
0x86: {  	v7 =	vld [tilespmem:s24+$0xFFFFFF40];
	[tilespmem:s22+$0xFFFFFFB0] =	vst v1;
	v0 =	vmul.f32 $1.131370830e+01, v0  }
0x87: {  	v1 =	vld [tilespmem:s24+$0xFFFFFFC0];
	[tilespmem:s22+$0x30] =	vst v6;
	v4 =	vmul.f32 $1.131370830e+01, v4  }
0x88: {  	v5 =	vmul.f32 $1.131370830e+01, v5;
	v6 =	vld [tilespmem:s24+$0x40];
	[tilespmem:s22+$0xB0] =	vst v0  }
0x89: {  	v0 =	vld [tilespmem:s24+$0xC0];
	[tilespmem:s22+$0x130] =	vst v4;
	v2 =	vmul.f32 $1.131370830e+01, v2  }
0x8a: {  	[tilespmem:s22+$0xFFFFFE30] =	vst v5;
	v3 =	vmul.f32 $1.131370830e+01, v3;
	v4 =	vld [tilespmem:s24+$0x140]  }
0x8b: {  	v5 =	vld [tilespmem:s24+$0xFFFFFE40];
	v7 =	vmul.f32 $1.131370830e+01, v7;
	[tilespmem:s22+$0x1C0] =	vst v2  }
0x8c: {  	[tilespmem:s22+$0xFFFFFEC0] =	vst v3;
	v1 =	vmul.f32 $1.131370830e+01, v1;
	v2 =	vld [tilespmem:s24+$0x1D0]  }
0x8d: {  	v3 =	vld [tilespmem:s24+$0xFFFFFED0];
	[tilespmem:s22+$0xFFFFFF40] =	vst v7;
	v6 =	vmul.f32 $1.131370830e+01, v6  }
0x8e: {  	v7 =	vld [tilespmem:s24+$0xFFFFFF50];
	[tilespmem:s22+$0xFFFFFFC0] =	vst v1;
	v0 =	vmul.f32 $1.131370830e+01, v0  }
0x8f: {  	v1 =	vld [tilespmem:s24+$0xFFFFFFD0];
	[tilespmem:s22+$0x40] =	vst v6;
	v4 =	vmul.f32 $1.131370830e+01, v4  }
0x90: {  	v5 =	vmul.f32 $1.131370830e+01, v5;
	v6 =	vld [tilespmem:s24+$0x50];
	[tilespmem:s22+$0xC0] =	vst v0  }
0x91: {  	v0 =	vld [tilespmem:s24+$0xD0];
	[tilespmem:s22+$0x140] =	vst v4;
	v2 =	vmul.f32 $1.131370830e+01, v2  }
0x92: {  	[tilespmem:s22+$0xFFFFFE40] =	vst v5;
	v3 =	vmul.f32 $1.131370830e+01, v3;
	v4 =	vld [tilespmem:s24+$0x150]  }
0x93: {  	v5 =	vld [tilespmem:s24+$0xFFFFFE50];
	v7 =	vmul.f32 $1.131370830e+01, v7;
	[tilespmem:s22+$0x1D0] =	vst v2  }
0x94: {  	[tilespmem:s22+$0xFFFFFED0] =	vst v3;
	v1 =	vmul.f32 $1.131370830e+01, v1;
	v2 =	vld [tilespmem:s24+$0x1E0]  }
0x95: {  	v3 =	vld [tilespmem:s24+$0xFFFFFEE0];
	[tilespmem:s22+$0xFFFFFF50] =	vst v7;
	v6 =	vmul.f32 $1.131370830e+01, v6  }
0x96: {  	v7 =	vld [tilespmem:s24+$0xFFFFFF60];
	[tilespmem:s22+$0xFFFFFFD0] =	vst v1;
	v0 =	vmul.f32 $1.131370830e+01, v0  }
0x97: {  	v1 =	vld [tilespmem:s24+$0xFFFFFFE0];
	[tilespmem:s22+$0x50] =	vst v6;
	v4 =	vmul.f32 $1.131370830e+01, v4  }
0x98: {  	v5 =	vmul.f32 $1.131370830e+01, v5;
	v6 =	vld [tilespmem:s24+$0x60];
	[tilespmem:s22+$0xD0] =	vst v0  }
0x99: {  	v0 =	vld [tilespmem:s24+$0xE0];
	[tilespmem:s22+$0x150] =	vst v4;
	v2 =	vmul.f32 $1.131370830e+01, v2  }
0x9a: {  	[tilespmem:s22+$0xFFFFFE50] =	vst v5;
	v3 =	vmul.f32 $1.131370830e+01, v3;
	v4 =	vld [tilespmem:s24+$0x160]  }
0x9b: {  	v5 =	vld [tilespmem:s24+$0xFFFFFE60];
	v7 =	vmul.f32 $1.131370830e+01, v7;
	[tilespmem:s22+$0x1E0] =	vst v2  }
0x9c: {  	[tilespmem:s22+$0xFFFFFEE0] =	vst v3;
	v1 =	vmul.f32 $1.131370830e+01, v1;
	v3 =	vld [tilespmem:s24+$0x1F0]  }
0x9d: {  	v8 =	vld [tilespmem:s24+$0xFFFFFEF0];
	[tilespmem:s22+$0xFFFFFF60] =	vst v7;
	v2 =	vmul.f32 $1.131370830e+01, v6  }
0x9e: {  	v7 =	vld [tilespmem:s24+$0xFFFFFF70];
	[tilespmem:s22+$0xFFFFFFE0] =	vst v1;
	v1 =	vmul.f32 $1.131370830e+01, v0  }
.Ltmp2:
0x9f: {  	v0 =	vld [tilespmem:s24+$0xFFFFFFF0];
	[tilespmem:s22+$0x60] =	vst v2;
	v4 =	vmul.f32 $1.131370830e+01, v4;
	(pc) =	sbr.rel @p0 .LBB2_3-.Ltmp2, $4  }
0xa0: {  	v5 =	vmul.f32 $1.131370830e+01, v5;
	v2 =	vld [tilespmem:s24+$0x70];
	[tilespmem:s22+$0xE0] =	vst v1  }
0xa1: {  	v1 =	vld [tilespmem:s24+$0xF0];
	[tilespmem:s22+$0x160] =	vst v4;
	v9 =	vmul.f32 $1.131370830e+01, v3  }
0xa2: {  	[tilespmem:s22+$0xFFFFFE60] =	vst v5;
	v6 =	vmul.f32 $1.131370830e+01, v8;
	v3 =	vld [tilespmem:s24+$0x170]  }
0xa3: {  	v4 =	vld [tilespmem:s24+$0xFFFFFE70];
	v5 =	vmul.f32 $1.131370830e+01, v7;
	[tilespmem:s22+$0x1F0] =	vst v9;
	s24 =	sadd.s32 $0x400, s24  }
0xa4: {  	[tilespmem:s22+$0xFFFFFEF0] =	vst v6;
	v0 =	vmul.f32 $1.131370830e+01, v0  }
0xa5: {  	[tilespmem:s22+$0xFFFFFF70] =	vst v5;
	v2 =	vmul.f32 $1.131370830e+01, v2  }
0xa6: {  	[tilespmem:s22+$0xFFFFFFF0] =	vst v0;
	v0 =	vmul.f32 $1.131370830e+01, v1  }
0xa7: {  	s23 =	sshll.u32 s20, $0xF;
	[tilespmem:s22+$0x70] =	vst v2;
	v1 =	vmul.f32 $1.131370830e+01, v3  }
0xa8: {  	p0 =	seq.s32 s20, $0x18;
	s23 =	sadd.s32 s6, s23;
	v2 =	vmul.f32 $1.131370830e+01, v4;
	[tilespmem:s22+$0xF0] =	vst v0  }
0xa9: {  	p1 =	seq.s32 @!p0 s20, $0x0;
	s23 =	sshrl.u32 s23, $0x3;
	[tilespmem:s22+$0x170] =	vst v1  }
0xaa: {  	s24 =	simm.s32 @!p0 $0x1C00;
	s30 =	sadd.s32 s3, s23;
	[tilespmem:s22+$0xFFFFFE70] =	vst v2;
	s22 =	sshrl.u32 @!p0 s21, $0x2  }
0xab: {  	[hbm4b:s30+s4] =	stream.linear.scatter [tilespmem:s14], [sflag:$0x3], $0x4000, $0x38;
	[tilespmem:$0x11C00] =	vst v63  }
0xac: {  	p1 =	por p0, !p1;
	s23 =	simm.s32 @!p0 $0x80;
	s22 =	sadd.s32 @!p0 $0x100, s22  }
0xad: {  	[tilespmem:s24], [sflag:$0x1] =	stream.indirect.gather @!p0 [hbm4b:s2+s23], $0x80, s22, s23, $0xb8;
	[tilespmem:$0x11C00] =	vst v63  }
0xae: {  	_ =	swait.ge @p1 [sflag:s18], $0x4000  }
0xaf: {  	[sflag:s18] =	ssyncset.done @p1 $0x0  }
0xb0: {  	[sflag:s18] =	ssyncadd.s32 @p1 $0xFFFFC000  }
0xb1: {  	_ =	swait.ge [sflag:s15], $0x4000  }
0xb2: {  	[sflag:s15] =	ssyncset.done $0x0  }
0xb3: {  	s31 =	simm.s32 $0x5E00;
	[sflag:s15] =	ssyncadd.s32 $0xFFFFC000  }
0xb4: {  	v0 =	vld [tilespmem:s31+$0x180]  }
0xb5: {  	v1 =	vld [tilespmem:s31+$0xFFFFFE80]  }
0xb6: {  	v2 =	vld [tilespmem:s31+$0xFFFFFF00]  }
0xb7: {  	v3 =	vld [tilespmem:s31+$0xFFFFFF80]  }
0xb8: {  	v4 =	vld [tilespmem:s31+$0x0]  }
0xb9: {  	v5 =	vld [tilespmem:s31+$0x80];
	v0 =	vmul.f32 $1.131370830e+01, v0  }
0xba: {  	s22 =	simm.s32 $0xDE00;
	v6 =	vld [tilespmem:s31+$0x100];
	v1 =	vmul.f32 $1.131370830e+01, v1  }
0xbb: {  	v7 =	vld [tilespmem:s31+$0xFFFFFE00];
	v2 =	vmul.f32 $1.131370830e+01, v2;
	[tilespmem:s22+$0x180] =	vst v0  }
0xbc: {  	[tilespmem:s22+$0xFFFFFE80] =	vst v1;
	v0 =	vmul.f32 $1.131370830e+01, v3;
	v1 =	vld [tilespmem:s31+$0x190]  }
0xbd: {  	[tilespmem:s22+$0xFFFFFF00] =	vst v2;
	v2 =	vmul.f32 $1.131370830e+01, v4;
	v3 =	vld [tilespmem:s31+$0xFFFFFE90]  }
0xbe: {  	v4 =	vld [tilespmem:s31+$0xFFFFFF10];
	[tilespmem:s22+$0xFFFFFF80] =	vst v0;
	v0 =	vmul.f32 $1.131370830e+01, v5  }
0xbf: {  	[tilespmem:s22+$0x0] =	vst v2;
	v2 =	vmul.f32 $1.131370830e+01, v6;
	v5 =	vld [tilespmem:s31+$0xFFFFFF90]  }
0xc0: {  	v6 =	vmul.f32 $1.131370830e+01, v7;
	v7 =	vld [tilespmem:s31+$0x10];
	[tilespmem:s22+$0x80] =	vst v0  }
0xc1: {  	[tilespmem:s22+$0x100] =	vst v2;
	v0 =	vld [tilespmem:s31+$0x90];
	v1 =	vmul.f32 $1.131370830e+01, v1  }
0xc2: {  	[tilespmem:s22+$0xFFFFFE00] =	vst v6;
	v2 =	vmul.f32 $1.131370830e+01, v3;
	v3 =	vld [tilespmem:s31+$0x110]  }
0xc3: {  	v6 =	vld [tilespmem:s31+$0xFFFFFE10];
	v4 =	vmul.f32 $1.131370830e+01, v4;
	[tilespmem:s22+$0x190] =	vst v1  }
0xc4: {  	[tilespmem:s22+$0xFFFFFE90] =	vst v2;
	v1 =	vmul.f32 $1.131370830e+01, v5;
	v2 =	vld [tilespmem:s31+$0x1A0]  }
0xc5: {  	[tilespmem:s22+$0xFFFFFF10] =	vst v4;
	v4 =	vmul.f32 $1.131370830e+01, v7;
	v5 =	vld [tilespmem:s31+$0xFFFFFEA0]  }
0xc6: {  	v7 =	vld [tilespmem:s31+$0xFFFFFF20];
	[tilespmem:s22+$0xFFFFFF90] =	vst v1;
	v0 =	vmul.f32 $1.131370830e+01, v0  }
0xc7: {  	[tilespmem:s22+$0x10] =	vst v4;
	v1 =	vld [tilespmem:s31+$0xFFFFFFA0];
	v3 =	vmul.f32 $1.131370830e+01, v3  }
0xc8: {  	v4 =	vmul.f32 $1.131370830e+01, v6;
	v6 =	vld [tilespmem:s31+$0x20];
	[tilespmem:s22+$0x90] =	vst v0  }
0xc9: {  	v0 =	vld [tilespmem:s31+$0xA0];
	[tilespmem:s22+$0x110] =	vst v3;
	v2 =	vmul.f32 $1.131370830e+01, v2  }
0xca: {  	[tilespmem:s22+$0xFFFFFE10] =	vst v4;
	v3 =	vmul.f32 $1.131370830e+01, v5;
	v4 =	vld [tilespmem:s31+$0x120]  }
0xcb: {  	v5 =	vld [tilespmem:s31+$0xFFFFFE20];
	v7 =	vmul.f32 $1.131370830e+01, v7;
	[tilespmem:s22+$0x1A0] =	vst v2  }
0xcc: {  	[tilespmem:s22+$0xFFFFFEA0] =	vst v3;
	v1 =	vmul.f32 $1.131370830e+01, v1;
	v2 =	vld [tilespmem:s31+$0x1B0]  }
0xcd: {  	[tilespmem:s22+$0xFFFFFF20] =	vst v7;
	v6 =	vmul.f32 $1.131370830e+01, v6;
	v3 =	vld [tilespmem:s31+$0xFFFFFEB0]  }
0xce: {  	v7 =	vld [tilespmem:s31+$0xFFFFFF30];
	[tilespmem:s22+$0xFFFFFFA0] =	vst v1;
	v0 =	vmul.f32 $1.131370830e+01, v0  }
0xcf: {  	[tilespmem:s22+$0x20] =	vst v6;
	v1 =	vld [tilespmem:s31+$0xFFFFFFB0];
	v4 =	vmul.f32 $1.131370830e+01, v4  }
0xd0: {  	v5 =	vmul.f32 $1.131370830e+01, v5;
	v6 =	vld [tilespmem:s31+$0x30];
	[tilespmem:s22+$0xA0] =	vst v0  }
0xd1: {  	v0 =	vld [tilespmem:s31+$0xB0];
	[tilespmem:s22+$0x120] =	vst v4;
	v2 =	vmul.f32 $1.131370830e+01, v2  }
0xd2: {  	[tilespmem:s22+$0xFFFFFE20] =	vst v5;
	v3 =	vmul.f32 $1.131370830e+01, v3;
	v4 =	vld [tilespmem:s31+$0x130]  }
0xd3: {  	v5 =	vld [tilespmem:s31+$0xFFFFFE30];
	v7 =	vmul.f32 $1.131370830e+01, v7;
	[tilespmem:s22+$0x1B0] =	vst v2  }
0xd4: {  	[tilespmem:s22+$0xFFFFFEB0] =	vst v3;
	v1 =	vmul.f32 $1.131370830e+01, v1;
	v2 =	vld [tilespmem:s31+$0x1C0]  }
0xd5: {  	[tilespmem:s22+$0xFFFFFF30] =	vst v7;
	v6 =	vmul.f32 $1.131370830e+01, v6;
	v3 =	vld [tilespmem:s31+$0xFFFFFEC0]  }
0xd6: {  	v7 =	vld [tilespmem:s31+$0xFFFFFF40];
	[tilespmem:s22+$0xFFFFFFB0] =	vst v1;
	v0 =	vmul.f32 $1.131370830e+01, v0  }
0xd7: {  	[tilespmem:s22+$0x30] =	vst v6;
	v1 =	vld [tilespmem:s31+$0xFFFFFFC0];
	v4 =	vmul.f32 $1.131370830e+01, v4  }
0xd8: {  	v5 =	vmul.f32 $1.131370830e+01, v5;
	v6 =	vld [tilespmem:s31+$0x40];
	[tilespmem:s22+$0xB0] =	vst v0  }
0xd9: {  	v0 =	vld [tilespmem:s31+$0xC0];
	[tilespmem:s22+$0x130] =	vst v4;
	v2 =	vmul.f32 $1.131370830e+01, v2  }
0xda: {  	[tilespmem:s22+$0xFFFFFE30] =	vst v5;
	v3 =	vmul.f32 $1.131370830e+01, v3;
	v4 =	vld [tilespmem:s31+$0x140]  }
0xdb: {  	v5 =	vld [tilespmem:s31+$0xFFFFFE40];
	v7 =	vmul.f32 $1.131370830e+01, v7;
	[tilespmem:s22+$0x1C0] =	vst v2  }
0xdc: {  	[tilespmem:s22+$0xFFFFFEC0] =	vst v3;
	v1 =	vmul.f32 $1.131370830e+01, v1;
	v2 =	vld [tilespmem:s31+$0x1D0]  }
0xdd: {  	[tilespmem:s22+$0xFFFFFF40] =	vst v7;
	v6 =	vmul.f32 $1.131370830e+01, v6;
	v3 =	vld [tilespmem:s31+$0xFFFFFED0]  }
0xde: {  	v7 =	vld [tilespmem:s31+$0xFFFFFF50];
	[tilespmem:s22+$0xFFFFFFC0] =	vst v1;
	v0 =	vmul.f32 $1.131370830e+01, v0  }
0xdf: {  	[tilespmem:s22+$0x40] =	vst v6;
	v1 =	vld [tilespmem:s31+$0xFFFFFFD0];
	v4 =	vmul.f32 $1.131370830e+01, v4  }
0xe0: {  	v5 =	vmul.f32 $1.131370830e+01, v5;
	v6 =	vld [tilespmem:s31+$0x50];
	[tilespmem:s22+$0xC0] =	vst v0  }
0xe1: {  	v0 =	vld [tilespmem:s31+$0xD0];
	[tilespmem:s22+$0x140] =	vst v4;
	v2 =	vmul.f32 $1.131370830e+01, v2  }
0xe2: {  	[tilespmem:s22+$0xFFFFFE40] =	vst v5;
	v3 =	vmul.f32 $1.131370830e+01, v3;
	v4 =	vld [tilespmem:s31+$0x150]  }
0xe3: {  	v5 =	vld [tilespmem:s31+$0xFFFFFE50];
	v7 =	vmul.f32 $1.131370830e+01, v7;
	[tilespmem:s22+$0x1D0] =	vst v2  }
0xe4: {  	[tilespmem:s22+$0xFFFFFED0] =	vst v3;
	v1 =	vmul.f32 $1.131370830e+01, v1;
	v2 =	vld [tilespmem:s31+$0x1E0]  }
0xe5: {  	[tilespmem:s22+$0xFFFFFF50] =	vst v7;
	v6 =	vmul.f32 $1.131370830e+01, v6;
	v3 =	vld [tilespmem:s31+$0xFFFFFEE0]  }
0xe6: {  	v7 =	vld [tilespmem:s31+$0xFFFFFF60];
	[tilespmem:s22+$0xFFFFFFD0] =	vst v1;
	v0 =	vmul.f32 $1.131370830e+01, v0  }
0xe7: {  	[tilespmem:s22+$0x50] =	vst v6;
	v1 =	vld [tilespmem:s31+$0xFFFFFFE0];
	v4 =	vmul.f32 $1.131370830e+01, v4  }
0xe8: {  	v5 =	vmul.f32 $1.131370830e+01, v5;
	v6 =	vld [tilespmem:s31+$0x60];
	[tilespmem:s22+$0xD0] =	vst v0  }
0xe9: {  	v0 =	vld [tilespmem:s31+$0xE0];
	[tilespmem:s22+$0x150] =	vst v4;
	v2 =	vmul.f32 $1.131370830e+01, v2  }
0xea: {  	[tilespmem:s22+$0xFFFFFE50] =	vst v5;
	v3 =	vmul.f32 $1.131370830e+01, v3;
	v4 =	vld [tilespmem:s31+$0x160]  }
0xeb: {  	v5 =	vld [tilespmem:s31+$0xFFFFFE60];
	v7 =	vmul.f32 $1.131370830e+01, v7;
	[tilespmem:s22+$0x1E0] =	vst v2  }
0xec: {  	[tilespmem:s22+$0xFFFFFEE0] =	vst v3;
	v1 =	vmul.f32 $1.131370830e+01, v1;
	v3 =	vld [tilespmem:s31+$0x1F0]  }
0xed: {  	[tilespmem:s22+$0xFFFFFF60] =	vst v7;
	v2 =	vmul.f32 $1.131370830e+01, v6;
	v8 =	vld [tilespmem:s31+$0xFFFFFEF0]  }
0xee: {  	v7 =	vld [tilespmem:s31+$0xFFFFFF70];
	[tilespmem:s22+$0xFFFFFFE0] =	vst v1;
	v1 =	vmul.f32 $1.131370830e+01, v0  }
0xef: {  	[tilespmem:s22+$0x60] =	vst v2;
	v0 =	vld [tilespmem:s31+$0xFFFFFFF0];
	v4 =	vmul.f32 $1.131370830e+01, v4  }
0xf0: {  	v5 =	vmul.f32 $1.131370830e+01, v5;
	v2 =	vld [tilespmem:s31+$0x70];
	[tilespmem:s22+$0xE0] =	vst v1  }
0xf1: {  	v1 =	vld [tilespmem:s31+$0xF0];
	[tilespmem:s22+$0x160] =	vst v4;
	v9 =	vmul.f32 $1.131370830e+01, v3  }
0xf2: {  	[tilespmem:s22+$0xFFFFFE60] =	vst v5;
	v3 =	vld [tilespmem:s31+$0x170];
	v6 =	vmul.f32 $1.131370830e+01, v8  }
0xf3: {  	s23 =	simm.s32 $0x0;
	s24 =	simm.s32 $0x6200;
	v4 =	vld [tilespmem:s31+$0xFFFFFE70];
	v5 =	vmul.f32 $1.131370830e+01, v7;
	[tilespmem:s22+$0x1F0] =	vst v9  }
.LBB2_5:
0xf4: {  	v7 =	vld [tilespmem:s24+$0x180];
	s23 =	sadd.s32 $0x8, s23;
	[tilespmem:s22+$0xFFFFFEF0] =	vst v6;
	v0 =	vmul.f32 $1.131370830e+01, v0  }
0xf5: {  	v6 =	vld [tilespmem:s24+$0xFFFFFE80];
	p1 =	slt.u32 s23, $0x78;
	[tilespmem:s22+$0xFFFFFF70] =	vst v5;
	v2 =	vmul.f32 $1.131370830e+01, v2  }
0xf6: {  	v5 =	vld [tilespmem:s24+$0xFFFFFF00];
	[tilespmem:s22+$0xFFFFFFF0] =	vst v0;
	v0 =	vmul.f32 $1.131370830e+01, v1  }
0xf7: {  	v1 =	vld [tilespmem:s24+$0xFFFFFF80];
	[tilespmem:s22+$0x70] =	vst v2;
	v2 =	vmul.f32 $1.131370830e+01, v3  }
0xf8: {  	v3 =	vld [tilespmem:s24+$0x0];
	v4 =	vmul.f32 $1.131370830e+01, v4;
	[tilespmem:s22+$0xF0] =	vst v0  }
0xf9: {  	v0 =	vld [tilespmem:s24+$0x80];
	v7 =	vmul.f32 $1.131370830e+01, v7;
	[tilespmem:s22+$0x170] =	vst v2  }
0xfa: {  	v2 =	vmul.f32 $1.131370830e+01, v6;
	v6 =	vld [tilespmem:s24+$0x100];
	[tilespmem:s22+$0xFFFFFE70] =	vst v4;
	s22 =	sadd.s32 $0x400, s22  }
0xfb: {  	v4 =	vld [tilespmem:s24+$0xFFFFFE00];
	v5 =	vmul.f32 $1.131370830e+01, v5;
	[tilespmem:s22+$0x180] =	vst v7  }
0xfc: {  	[tilespmem:s22+$0xFFFFFE80] =	vst v2;
	v1 =	vmul.f32 $1.131370830e+01, v1;
	v2 =	vld [tilespmem:s24+$0x190]  }
0xfd: {  	v7 =	vld [tilespmem:s24+$0xFFFFFE90];
	[tilespmem:s22+$0xFFFFFF00] =	vst v5;
	v3 =	vmul.f32 $1.131370830e+01, v3  }
0xfe: {  	v5 =	vld [tilespmem:s24+$0xFFFFFF10];
	[tilespmem:s22+$0xFFFFFF80] =	vst v1;
	v0 =	vmul.f32 $1.131370830e+01, v0  }
0xff: {  	v1 =	vld [tilespmem:s24+$0xFFFFFF90];
	[tilespmem:s22+$0x0] =	vst v3;
	v3 =	vmul.f32 $1.131370830e+01, v6  }
0x100: {  	v4 =	vmul.f32 $1.131370830e+01, v4;
	v6 =	vld [tilespmem:s24+$0x10];
	[tilespmem:s22+$0x80] =	vst v0  }
0x101: {  	v0 =	vld [tilespmem:s24+$0x90];
	[tilespmem:s22+$0x100] =	vst v3;
	v2 =	vmul.f32 $1.131370830e+01, v2  }
0x102: {  	[tilespmem:s22+$0xFFFFFE00] =	vst v4;
	v3 =	vmul.f32 $1.131370830e+01, v7;
	v4 =	vld [tilespmem:s24+$0x110]  }
0x103: {  	v7 =	vld [tilespmem:s24+$0xFFFFFE10];
	v5 =	vmul.f32 $1.131370830e+01, v5;
	[tilespmem:s22+$0x190] =	vst v2  }
0x104: {  	[tilespmem:s22+$0xFFFFFE90] =	vst v3;
	v1 =	vmul.f32 $1.131370830e+01, v1;
	v2 =	vld [tilespmem:s24+$0x1A0]  }
0x105: {  	v3 =	vld [tilespmem:s24+$0xFFFFFEA0];
	[tilespmem:s22+$0xFFFFFF10] =	vst v5;
	v5 =	vmul.f32 $1.131370830e+01, v6  }
0x106: {  	v6 =	vld [tilespmem:s24+$0xFFFFFF20];
	[tilespmem:s22+$0xFFFFFF90] =	vst v1;
	v0 =	vmul.f32 $1.131370830e+01, v0  }
0x107: {  	v1 =	vld [tilespmem:s24+$0xFFFFFFA0];
	[tilespmem:s22+$0x10] =	vst v5;
	v4 =	vmul.f32 $1.131370830e+01, v4  }
0x108: {  	v5 =	vmul.f32 $1.131370830e+01, v7;
	v7 =	vld [tilespmem:s24+$0x20];
	[tilespmem:s22+$0x90] =	vst v0  }
0x109: {  	v0 =	vld [tilespmem:s24+$0xA0];
	[tilespmem:s22+$0x110] =	vst v4;
	v2 =	vmul.f32 $1.131370830e+01, v2  }
0x10a: {  	[tilespmem:s22+$0xFFFFFE10] =	vst v5;
	v3 =	vmul.f32 $1.131370830e+01, v3;
	v4 =	vld [tilespmem:s24+$0x120]  }
0x10b: {  	v5 =	vld [tilespmem:s24+$0xFFFFFE20];
	v6 =	vmul.f32 $1.131370830e+01, v6;
	[tilespmem:s22+$0x1A0] =	vst v2  }
0x10c: {  	[tilespmem:s22+$0xFFFFFEA0] =	vst v3;
	v1 =	vmul.f32 $1.131370830e+01, v1;
	v2 =	vld [tilespmem:s24+$0x1B0]  }
0x10d: {  	v3 =	vld [tilespmem:s24+$0xFFFFFEB0];
	[tilespmem:s22+$0xFFFFFF20] =	vst v6;
	v6 =	vmul.f32 $1.131370830e+01, v7  }
0x10e: {  	v7 =	vld [tilespmem:s24+$0xFFFFFF30];
	[tilespmem:s22+$0xFFFFFFA0] =	vst v1;
	v0 =	vmul.f32 $1.131370830e+01, v0  }
0x10f: {  	v1 =	vld [tilespmem:s24+$0xFFFFFFB0];
	[tilespmem:s22+$0x20] =	vst v6;
	v4 =	vmul.f32 $1.131370830e+01, v4  }
0x110: {  	v5 =	vmul.f32 $1.131370830e+01, v5;
	v6 =	vld [tilespmem:s24+$0x30];
	[tilespmem:s22+$0xA0] =	vst v0  }
0x111: {  	v0 =	vld [tilespmem:s24+$0xB0];
	[tilespmem:s22+$0x120] =	vst v4;
	v2 =	vmul.f32 $1.131370830e+01, v2  }
0x112: {  	[tilespmem:s22+$0xFFFFFE20] =	vst v5;
	v3 =	vmul.f32 $1.131370830e+01, v3;
	v4 =	vld [tilespmem:s24+$0x130]  }
0x113: {  	v5 =	vld [tilespmem:s24+$0xFFFFFE30];
	v7 =	vmul.f32 $1.131370830e+01, v7;
	[tilespmem:s22+$0x1B0] =	vst v2  }
0x114: {  	[tilespmem:s22+$0xFFFFFEB0] =	vst v3;
	v1 =	vmul.f32 $1.131370830e+01, v1;
	v2 =	vld [tilespmem:s24+$0x1C0]  }
0x115: {  	v3 =	vld [tilespmem:s24+$0xFFFFFEC0];
	[tilespmem:s22+$0xFFFFFF30] =	vst v7;
	v6 =	vmul.f32 $1.131370830e+01, v6  }
0x116: {  	v7 =	vld [tilespmem:s24+$0xFFFFFF40];
	[tilespmem:s22+$0xFFFFFFB0] =	vst v1;
	v0 =	vmul.f32 $1.131370830e+01, v0  }
0x117: {  	v1 =	vld [tilespmem:s24+$0xFFFFFFC0];
	[tilespmem:s22+$0x30] =	vst v6;
	v4 =	vmul.f32 $1.131370830e+01, v4  }
0x118: {  	v5 =	vmul.f32 $1.131370830e+01, v5;
	v6 =	vld [tilespmem:s24+$0x40];
	[tilespmem:s22+$0xB0] =	vst v0  }
0x119: {  	v0 =	vld [tilespmem:s24+$0xC0];
	[tilespmem:s22+$0x130] =	vst v4;
	v2 =	vmul.f32 $1.131370830e+01, v2  }
0x11a: {  	[tilespmem:s22+$0xFFFFFE30] =	vst v5;
	v3 =	vmul.f32 $1.131370830e+01, v3;
	v4 =	vld [tilespmem:s24+$0x140]  }
0x11b: {  	v5 =	vld [tilespmem:s24+$0xFFFFFE40];
	v7 =	vmul.f32 $1.131370830e+01, v7;
	[tilespmem:s22+$0x1C0] =	vst v2  }
0x11c: {  	[tilespmem:s22+$0xFFFFFEC0] =	vst v3;
	v1 =	vmul.f32 $1.131370830e+01, v1;
	v2 =	vld [tilespmem:s24+$0x1D0]  }
0x11d: {  	v3 =	vld [tilespmem:s24+$0xFFFFFED0];
	[tilespmem:s22+$0xFFFFFF40] =	vst v7;
	v6 =	vmul.f32 $1.131370830e+01, v6  }
0x11e: {  	v7 =	vld [tilespmem:s24+$0xFFFFFF50];
	[tilespmem:s22+$0xFFFFFFC0] =	vst v1;
	v0 =	vmul.f32 $1.131370830e+01, v0  }
0x11f: {  	v1 =	vld [tilespmem:s24+$0xFFFFFFD0];
	[tilespmem:s22+$0x40] =	vst v6;
	v4 =	vmul.f32 $1.131370830e+01, v4  }
0x120: {  	v5 =	vmul.f32 $1.131370830e+01, v5;
	v6 =	vld [tilespmem:s24+$0x50];
	[tilespmem:s22+$0xC0] =	vst v0  }
0x121: {  	v0 =	vld [tilespmem:s24+$0xD0];
	[tilespmem:s22+$0x140] =	vst v4;
	v2 =	vmul.f32 $1.131370830e+01, v2  }
0x122: {  	[tilespmem:s22+$0xFFFFFE40] =	vst v5;
	v3 =	vmul.f32 $1.131370830e+01, v3;
	v4 =	vld [tilespmem:s24+$0x150]  }
0x123: {  	v5 =	vld [tilespmem:s24+$0xFFFFFE50];
	v7 =	vmul.f32 $1.131370830e+01, v7;
	[tilespmem:s22+$0x1D0] =	vst v2  }
0x124: {  	[tilespmem:s22+$0xFFFFFED0] =	vst v3;
	v1 =	vmul.f32 $1.131370830e+01, v1;
	v2 =	vld [tilespmem:s24+$0x1E0]  }
0x125: {  	v3 =	vld [tilespmem:s24+$0xFFFFFEE0];
	[tilespmem:s22+$0xFFFFFF50] =	vst v7;
	v6 =	vmul.f32 $1.131370830e+01, v6  }
0x126: {  	v7 =	vld [tilespmem:s24+$0xFFFFFF60];
	[tilespmem:s22+$0xFFFFFFD0] =	vst v1;
	v0 =	vmul.f32 $1.131370830e+01, v0  }
0x127: {  	v1 =	vld [tilespmem:s24+$0xFFFFFFE0];
	[tilespmem:s22+$0x50] =	vst v6;
	v4 =	vmul.f32 $1.131370830e+01, v4  }
0x128: {  	v5 =	vmul.f32 $1.131370830e+01, v5;
	v6 =	vld [tilespmem:s24+$0x60];
	[tilespmem:s22+$0xD0] =	vst v0  }
0x129: {  	v0 =	vld [tilespmem:s24+$0xE0];
	[tilespmem:s22+$0x150] =	vst v4;
	v2 =	vmul.f32 $1.131370830e+01, v2  }
0x12a: {  	[tilespmem:s22+$0xFFFFFE50] =	vst v5;
	v3 =	vmul.f32 $1.131370830e+01, v3;
	v4 =	vld [tilespmem:s24+$0x160]  }
0x12b: {  	v5 =	vld [tilespmem:s24+$0xFFFFFE60];
	v7 =	vmul.f32 $1.131370830e+01, v7;
	[tilespmem:s22+$0x1E0] =	vst v2  }
0x12c: {  	[tilespmem:s22+$0xFFFFFEE0] =	vst v3;
	v1 =	vmul.f32 $1.131370830e+01, v1;
	v3 =	vld [tilespmem:s24+$0x1F0]  }
0x12d: {  	v8 =	vld [tilespmem:s24+$0xFFFFFEF0];
	[tilespmem:s22+$0xFFFFFF60] =	vst v7;
	v2 =	vmul.f32 $1.131370830e+01, v6  }
0x12e: {  	v7 =	vld [tilespmem:s24+$0xFFFFFF70];
	[tilespmem:s22+$0xFFFFFFE0] =	vst v1;
	v1 =	vmul.f32 $1.131370830e+01, v0  }
.Ltmp3:
0x12f: {  	v0 =	vld [tilespmem:s24+$0xFFFFFFF0];
	[tilespmem:s22+$0x60] =	vst v2;
	v4 =	vmul.f32 $1.131370830e+01, v4;
	(pc) =	sbr.rel @p1 .LBB2_5-.Ltmp3, $4  }
0x130: {  	v5 =	vmul.f32 $1.131370830e+01, v5;
	v2 =	vld [tilespmem:s24+$0x70];
	[tilespmem:s22+$0xE0] =	vst v1  }
0x131: {  	v1 =	vld [tilespmem:s24+$0xF0];
	[tilespmem:s22+$0x160] =	vst v4;
	v9 =	vmul.f32 $1.131370830e+01, v3  }
0x132: {  	[tilespmem:s22+$0xFFFFFE60] =	vst v5;
	v6 =	vmul.f32 $1.131370830e+01, v8;
	v3 =	vld [tilespmem:s24+$0x170]  }
0x133: {  	v4 =	vld [tilespmem:s24+$0xFFFFFE70];
	v5 =	vmul.f32 $1.131370830e+01, v7;
	[tilespmem:s22+$0x1F0] =	vst v9;
	s24 =	sadd.s32 $0x400, s24  }
0x134: {  	[tilespmem:s22+$0xFFFFFEF0] =	vst v6;
	v0 =	vmul.f32 $1.131370830e+01, v0  }
0x135: {  	[tilespmem:s22+$0xFFFFFF70] =	vst v5;
	v2 =	vmul.f32 $1.131370830e+01, v2  }
0x136: {  	[tilespmem:s22+$0xFFFFFFF0] =	vst v0;
	v61 =	vmul.f32 $1.131370830e+01, v1  }
.Ltmp4:
0x137: {  	[tilespmem:s22+$0x70] =	vst v2;
	v62 =	vmul.f32 $1.131370830e+01, v3;
	(pc) =	sbr.rel @p0 .LBB2_8-.Ltmp4, $4  }
0x138: {  	v63 =	vmul.f32 $1.131370830e+01, v4;
	[tilespmem:s22+$0xF0] =	vst v61  }
0x139: {  	s23 =	sshll.u32 s20, $0xC;
	[tilespmem:s22+$0x170] =	vst v62  }
0x13a: {  	s31 =	sadd.s32 s8, s23;
	[tilespmem:s22+$0xFFFFFE70] =	vst v63  }
0x13b: {  	[hbm4b:s31+s4] =	stream.linear.scatter [tilespmem:s16], [sflag:$0x4], $0x4000, $0x38;
	[tilespmem:$0x11C00] =	vst v63  }
.Ltmp5:
0x13c: {  	(pc) =	sbr.rel .LBB2_2-.Ltmp5, $4  }
0x13d: {  	_ = 	snop  }
0x13e: {  	s21 =	sshrl.u32 s21, $0x2  }
0x13f: {  	s20 =	sadd.s32 $0x1, s20;
	s21 =	sadd.s32 $0x180, s21  }
0x140: {  	[tilespmem:s12], [sflag:$0x2] =	stream.indirect.gather [hbm4b:s2+s10], $0x80, s21, s10, $0xb8;
	[tilespmem:$0x11C00] =	vst v63  }
.LBB2_9:
0x141: {  	_ =	sfence.sel $0x180000  }
0x142: {  	[bflag:$0x0] =	sbarrier.arrive $0xFFFF  }
0x143: {  	p0 =	sne.s32 s0, $0x0;
	_ =	strace $0x90000047  }
0x144: {  	s0 =	sadd.s32 @!p0 $0x100000, s1;
	[bflag:$0x2] =	sbarrier.arrive $0xFFFF  }
0x145: {  	[sflag:s0] =	ssyncadd.tile.s32 @!p0 $0x1;
	_ =	shalt  }
.Lfunc_end2:
_tile_overlayer_lowered:
.L_overlay_start_2:
0x146: {  	(tag) =	ssettag $0x2  }
0x147: {  	s0 =	rddreg [dreg:$0x0];
	s2 =	stileid.u32  }
0x148: {  	s1 =	rddreg [dreg:$0x1];
	p0 =	sne.s32 s2, $0x0  }
0x149: {  	s3 =	rddreg [dreg:$0x2];
	[bflag:$0x3] =	sbarrier.arrive $0xFFFF;
	s2 =	simm.s32 @!p0 $0x1C05  }
0x14a: {  	[timem:s3], [sflag:s2] =	dma.local @!p0 [hbm:s0], s1  }
0x14b: {  	s0 =	simm.s32 @!p0 $0x5  }
0x14c: {  	_ =	swait.ge @!p0 [sflag:s0], s1  }
0x14d: {  	s1 =	ssub.s32 @!p0 $0x0, s1;
	[sflag:s0] =	ssyncset.done @!p0 $0x0  }
0x14e: {  	[sflag:s0] =	ssyncadd.s32 @!p0 s1  }
0x14f: {  	[bflag:$0x3] =	sbarrier.arrive $0xFFFF  }
0x150: {  	_ =	shalt  }

</sc_bundles>
